<compile_context>
chip_gen: v7x
topology: tpu7x:2x2x1
jax: 0.10.2.dev20260603
libtpu: 0.0.44.dev20260713+nightly
codegen_flags: <defaults>
</compile_context>

<pallas_src>
import functools

import jax
import jax.numpy as jnp
from jax import lax
from jax.experimental import pallas as pl
from jax.experimental.pallas import tpu as pltpu
from jax.experimental.pallas import tpu_sc as plsc

N = 10000
E = 320000
SDIM = 128
VDIM = 32

NC, NS = 2, 16
NW = NC * NS
EW = E // NW
CH = 128
NCH = -(-EW // CH)
FULL = EW // CH
TAIL = EW - FULL * CH
R = NW * ((NCH * CH) // NW)
STR = R // NS
CW = 16

_MESH = dict(core_axis_name="c", subcore_axis_name="s", num_cores=NC,
             num_subcores=NS)
_PARAMS = pltpu.CompilerParams(use_tc_tiling_on_sc=False)


def _sc_segment_sum(e, dst_pad):

    @functools.partial(
        pl.kernel,
        mesh=plsc.VectorSubcoreMesh(**_MESH),
        compiler_params=_PARAMS,
        out_type=jax.ShapeDtypeStruct((NC, R, SDIM), jnp.float32),
        scratch_types=[
            pltpu.VMEM((CH, SDIM), jnp.float32),
            pltpu.VMEM((CH, SDIM), jnp.float32),
            pltpu.VMEM((NCH, CH), jnp.int32),
            pltpu.VMEM_SHARED((R, SDIM), jnp.float32),
            pltpu.SemaphoreType.DMA,
            pltpu.SemaphoreType.DMA,
        ],
    )
    def k(e_hbm, dstp_hbm, out_hbm, buf0, buf1, idx_v, acc, sem0, sem1):
        c = lax.axis_index("c")
        s = lax.axis_index("s")
        wid = c * NS + s
        ebase = wid * EW

        z16 = jnp.zeros((16,), jnp.float32)

        def zrow(i, carry):
            for g in range(SDIM // 16):
                buf0[i, pl.ds(g * 16, 16)] = z16
            return carry

        lax.fori_loop(0, CH, zrow, 0)
        base = s * STR
        for t in range(4):
            pltpu.sync_copy(buf0, acc.at[pl.ds(base + t * CH, CH)])
        pltpu.sync_copy(buf0.at[pl.ds(0, STR - 4 * CH)],
                        acc.at[pl.ds(base + 4 * CH, STR - 4 * CH)])
        pltpu.sync_copy(dstp_hbm.at[wid], idx_v)

        plsc.subcore_barrier()

        pltpu.sync_copy(e_hbm.at[pl.ds(ebase, CH)], buf0)

        def body(i, carry):
            j = 2 * i
            s0 = pltpu.async_copy(buf0, acc.at[idx_v.at[j]], sem0, add=True)
            pltpu.sync_copy(e_hbm.at[pl.ds(ebase + (j + 1) * CH, CH)], buf1)
            s1 = pltpu.async_copy(buf1, acc.at[idx_v.at[j + 1]], sem1,
                                  add=True)
            s0.wait()
            jn = jnp.minimum(j + 2, FULL - 1)
            pltpu.sync_copy(e_hbm.at[pl.ds(ebase + jn * CH, CH)], buf0)
            s1.wait()
            return carry

        lax.fori_loop(0, FULL // 2, body, 0)

        pltpu.sync_copy(
            e_hbm.at[pl.ds(ebase + FULL * CH, TAIL)], buf0.at[pl.ds(0, TAIL)]
        )
        pltpu.sync_copy(buf0, acc.at[idx_v.at[FULL]], add=True)

        plsc.subcore_barrier()
        pltpu.sync_copy(
            acc.at[pl.ds(s * STR, STR)], out_hbm.at[c, pl.ds(s * STR, STR)]
        )

    return k(e, dst_pad)


def _sc_segment_count(dst_pad):

    @functools.partial(
        pl.kernel,
        mesh=plsc.VectorSubcoreMesh(**_MESH),
        compiler_params=_PARAMS,
        out_type=jax.ShapeDtypeStruct((NC, R, CW), jnp.float32),
        scratch_types=[
            pltpu.VMEM((CH, CW), jnp.float32),
            pltpu.VMEM((NCH, CH), jnp.int32),
            pltpu.VMEM_SHARED((R, CW), jnp.float32),
        ],
    )
    def k(dstp_hbm, out_hbm, ones_v, idx_v, acc):
        c = lax.axis_index("c")
        s = lax.axis_index("s")
        wid = c * NS + s

        z16 = jnp.zeros((16,), jnp.float32)

        def zrow(i, carry):
            ones_v[i, :] = z16
            return carry

        lax.fori_loop(0, CH, zrow, 0)
        base = s * STR
        for t in range(4):
            pltpu.sync_copy(ones_v, acc.at[pl.ds(base + t * CH, CH)])
        pltpu.sync_copy(ones_v.at[pl.ds(0, STR - 4 * CH)],
                        acc.at[pl.ds(base + 4 * CH, STR - 4 * CH)])
        pltpu.sync_copy(dstp_hbm.at[wid], idx_v)

        ones16 = jnp.full((16,), 1.0, jnp.float32)

        def initb(i, carry):
            ones_v[i, :] = ones16
            return carry

        lax.fori_loop(0, CH, initb, 0)
        plsc.subcore_barrier()

        def body(j, carry):
            pltpu.sync_copy(ones_v, acc.at[idx_v.at[j]], add=True)
            return carry

        lax.fori_loop(0, NCH, body, 0)

        plsc.subcore_barrier()
        pltpu.sync_copy(
            acc.at[pl.ds(s * STR, STR)], out_hbm.at[c, pl.ds(s * STR, STR)]
        )

    return k(dst_pad)


def _tc_sv_body(s_ref, vt_ref, wst_ref, bs_ref, wv_ref, wpt_ref, bp_ref,
                out_ref):
    s2 = jax.nn.silu(
        jnp.dot(s_ref[...], wst_ref[...], preferred_element_type=jnp.float32)
        + bs_ref[...]
    )
    v3 = jnp.abs(jnp.sum(vt_ref[...] * wv_ref[...], axis=1))
    out_ref[...] = (
        jnp.dot(s2 + v3, wpt_ref[...], preferred_element_type=jnp.float32)
        + bp_ref[...]
    )


def _tc_e_body(parts_ref, cnts_ref, outa_ref, wet_ref, be_ref, wpt_ref,
               out_ref):
    e_sum = parts_ref[0] + parts_ref[1]
    cnt = cnts_ref[0, :, 0:1] + cnts_ref[1, :, 0:1]
    e2 = (0.5 * e_sum) / jnp.maximum(cnt, 1.0)
    e3 = jax.nn.silu(
        jnp.dot(e2, wet_ref[...], preferred_element_type=jnp.float32)
        + be_ref[...]
    )
    out_ref[...] = outa_ref[...] + jnp.dot(
        e3, wpt_ref[...], preferred_element_type=jnp.float32
    )


def _full(shape):
    return pl.BlockSpec(shape, lambda i: tuple(0 for _ in shape))


def _tc_sv(s, vt, wst, bs2, wv3, wpt, bp2, blk):
    return pl.pallas_call(
        _tc_sv_body,
        grid=(N // blk,),
        in_specs=[
            pl.BlockSpec((blk, SDIM), lambda i: (i, 0)),
            pl.BlockSpec((blk, VDIM, SDIM), lambda i: (i, 0, 0)),
            _full((SDIM, SDIM)),
            _full((1, SDIM)),
            _full((1, VDIM, 1)),
            _full((SDIM, 1)),
            _full((1, 1)),
        ],
        out_specs=pl.BlockSpec((blk, 1), lambda i: (i, 0)),
        out_shape=jax.ShapeDtypeStruct((N, 1), jnp.float32),
    )(s, vt, wst, bs2, wv3, wpt, bp2)


def _tc_e(parts, cnts, outa, wet, be2, wpt, blk):
    return pl.pallas_call(
        _tc_e_body,
        grid=(N // blk,),
        in_specs=[
            pl.BlockSpec((NC, blk, SDIM), lambda i: (0, i, 0)),
            pl.BlockSpec((NC, blk, CW), lambda i: (0, i, 0)),
            pl.BlockSpec((blk, 1), lambda i: (i, 0)),
            _full((SDIM, SDIM)),
            _full((1, SDIM)),
            _full((SDIM, 1)),
        ],
        out_specs=pl.BlockSpec((blk, 1), lambda i: (i, 0)),
        out_shape=jax.ShapeDtypeStruct((N, 1), jnp.float32),
    )(parts, cnts, outa, wet, be2, wpt)


def kernel(s, v, p, e, batch, edge_index_global, W_s, b_s, W_e, b_e, W_v, W_p, b_p):
    del p, batch
    dst = edge_index_global[1].astype(jnp.int32)

    dst_r = dst.reshape(NW, EW)
    pad = NCH * CH - EW
    trash = (N + jnp.arange(NW, dtype=jnp.int32))[:, None] + jnp.zeros(
        (1, pad), jnp.int32
    )
    dst_pad = jnp.concatenate([dst_r, trash], axis=1).reshape(NW, NCH, CH)

    parts = _sc_segment_sum(e, dst_pad)
    partc = _sc_segment_count(dst_pad)

    vt = jnp.transpose(v, (0, 2, 1))
    wv3 = W_v.reshape(1, VDIM, 1).astype(jnp.float32)

    outa = _tc_sv(
        s, vt, W_s.T, b_s.reshape(1, SDIM), wv3, W_p.T, b_p.reshape(1, 1),
        blk=1000,
    )
    return _tc_e(
        parts, partc, outa, W_e.T, b_e.reshape(1, SDIM), W_p.T, blk=1000
    )

# --- scband reference (transcript-rebuilt; emitter-appended) ---
"""Pipeline reference for scband-property-prediction-mlp-71846212928321 (READ-ONLY COPY).

The authoritative reference and input builder live on the scoring server;
editing this copy changes nothing except your own understanding.
"""

import jax, jax.numpy as jnp
import numpy as np

N, E, SDIM, VDIM = 10000, 320000, 128, 32

def setup_inputs(seed: int = 0) -> dict:
    key = jax.random.key(seed)
    ks = jax.random.split(key, 12)
    s = jax.random.normal(ks[0], (N, SDIM), dtype=jnp.float32)
    v = jax.random.normal(ks[1], (N, SDIM, VDIM), dtype=jnp.float32)
    p = jax.random.normal(ks[2], (N, 1), dtype=jnp.float32)
    e = jax.random.normal(ks[3], (E, SDIM), dtype=jnp.float32)
    batch = jnp.sort(jax.random.randint(ks[4], (N,), 0, 64, dtype=jnp.int64))
    edge_index_global = jax.random.randint(ks[5], (2, E), 0, N, dtype=jnp.int64)
    W_s = jax.random.normal(ks[6], (SDIM, SDIM), dtype=jnp.float32) * 0.05
    b_s = jnp.zeros((SDIM,), dtype=jnp.float32)
    W_e = jax.random.normal(ks[7], (SDIM, SDIM), dtype=jnp.float32) * 0.05
    b_e = jnp.zeros((SDIM,), dtype=jnp.float32)
    W_v = jax.random.normal(ks[8], (1, VDIM), dtype=jnp.float32) * 0.05
    W_p = jax.random.normal(ks[9], (1, SDIM), dtype=jnp.float32) * 0.05
    b_p = jnp.zeros((1,), dtype=jnp.float32)
    return {"s": s, "v": v, "p": p, "e": e, "batch": batch, "edge_index_global": edge_index_global,
            "W_s": W_s, "b_s": b_s, "W_e": W_e, "b_e": b_e, "W_v": W_v, "W_p": W_p, "b_p": b_p}

def reference(s, v, p, e, batch, edge_index_global, W_s, b_s, W_e, b_e, W_v, W_p, b_p):
    n = s.shape[0]
    dst = edge_index_global[1]
    # scatter_mean(e, index=dst, dim=0, dim_size=n)
    e_sum = jax.ops.segment_sum(e, dst, num_segments=n)
    cnt = jax.ops.segment_sum(jnp.ones((e.shape[0],), dtype=e.dtype), dst, num_segments=n)
    e_mean = e_sum / jnp.clip(cnt, 1.0, None)[:, None]
    e2 = 0.5 * e_mean
    s2 = jax.nn.silu(s @ W_s.T + b_s)
    e3 = jax.nn.silu(e2 @ W_e.T + b_e)
    v2 = v @ W_v.T + p.sum() * 0  # [N, SDIM, 1]
    v3 = jnp.sqrt(jnp.sum(v2 * v2, axis=-1))  # torch.norm(v, dim=-1) -> [N, SDIM]
    out = (s2 + e3 + v3) @ W_p.T + b_p  # property_mapping, activation=Identity
    return out

if __name__ == "__main__":
    import jax
    _d = setup_inputs()
    print(jax.jit(kernel)(*tuple(_d.values())))

</pallas_src>

<mosaic_0001>
#map = affine_map<(d0, d1) -> (0, 0, 0)>
module attributes {stable_mosaic.version = 14 : i64} {
  func.func @k(%arg0: i32, %arg1: i32, %arg2: memref<32x79x128xi32, #tpu.memory_space<hbm>>, %arg3: memref<2x10112x16xf32, #tpu.memory_space<hbm>>, %arg4: memref<128x16xf32, #tpu.memory_space<vmem>>, %arg5: memref<79x128xi32, #tpu.memory_space<vmem>>, %arg6: memref<10112x16xf32, #tpu.memory_space<vmem_shared>>) attributes {dimension_semantics = [#tpu.dimension_semantics<core_parallel>, #tpu.dimension_semantics<subcore_parallel>], iteration_bounds = array<i64: 2, 16>, scalar_prefetch = 0 : i64, scratch_operands = 3 : i64, tpu.core_type = #tpu.core_type<sc_vector_subcore>, window_params = [{transform_indices = #map}, {transform_indices = #map}]} {
    %mul3A = arith.constant 16 : i32
    %mul3A_0 = arith.muli %arg0, %mul3A : i32
    %add3A = arith.addi %mul3A_0, %arg1 : i32
    %broadcast_in_dim3A = arith.constant 0.000000e+00 : f32
    %broadcast_in_dim3A_1 = vector.broadcast %broadcast_in_dim3A : f32 to vector<16xf32>
    %scan3A = arith.constant 0 : i32
    %scan3A_2 = arith.constant 0 : i32
    %scan3A_3 = arith.constant 128 : i32
    %scan3A_4 = arith.addi %scan3A_2, %scan3A_3 : i32
    %scan3A_5 = arith.constant 1 : i32
    scf.for %scan3A_38 = %scan3A_2 to %scan3A_4 step %scan3A_5  : i32 {
      %swap3A = arith.index_cast %scan3A_38 : i32 to index
      %swap3A_39 = arith.constant 0 : index
      %swap3A_40 = tpu.vector_load %arg4[%swap3A, %swap3A_39] {strides = array<i32>} : memref<128x16xf32, #tpu.memory_space<vmem>>, vector<1x16xf32>,
      %swap3A_41 = vector.shape_cast %swap3A_40 : vector<1x16xf32> to vector<16xf32>
      %swap3A_42 = vector.shape_cast %broadcast_in_dim3A_1 : vector<16xf32> to vector<1x16xf32>
      tpu.vector_store %arg4[%swap3A, %swap3A_39], %swap3A_42 {strides = array<i32>} : memref<128x16xf32, #tpu.memory_space<vmem>>, vector<1x16xf32>,
    }
    %scan3A_6 = arith.constant 128 : i32
    %mul3A_7 = arith.constant 632 : i32
    %mul3A_8 = arith.muli %arg1, %mul3A_7 : i32
    %add3A_9 = arith.constant 0 : i32
    %add3A_10 = arith.addi %mul3A_8, %add3A_9 : i32
    "tpu.region"() ({
      %run_scoped3A = tpu.sem_alloc : memref<!tpu.dma_semaphore, #tpu.memory_space<semaphore_mem>>
      %dma_start3A = arith.constant 0 : i32
      %dma_start3A_38 = tpu.memref_slice %arg6[%add3A_10, %dma_start3A] : memref<10112x16xf32, #tpu.memory_space<vmem_shared>> -> memref<128x16xf32, #tpu.memory_space<vmem_shared>>
      %dma_start3A_39 = arith.constant 0 : i32
      %dma_start3A_40 = tpu.memref_slice %arg6[%add3A_10, %dma_start3A_39] : memref<10112x16xf32, #tpu.memory_space<vmem_shared>> -> memref<128x16xf32, #tpu.memory_space<vmem_shared>>
      tpu.enqueue_dma source(%arg4 : memref<128x16xf32, #tpu.memory_space<vmem>>) target(%dma_start3A_40 : memref<128x16xf32, #tpu.memory_space<vmem_shared>>) target_semaphore(%run_scoped3A : memref<!tpu.dma_semaphore, #tpu.memory_space<semaphore_mem>>)
      %dma_wait3A = arith.constant 0 : i32
      %dma_wait3A_41 = tpu.memref_slice %arg6[%add3A_10, %dma_wait3A] : memref<10112x16xf32, #tpu.memory_space<vmem_shared>> -> memref<128x16xf32, #tpu.memory_space<vmem_shared>>
      %dma_wait3A_42 = arith.constant 0 : i32
      %dma_wait3A_43 = tpu.memref_slice %arg6[%add3A_10, %dma_wait3A_42] : memref<10112x16xf32, #tpu.memory_space<vmem_shared>> -> memref<128x16xf32, #tpu.memory_space<vmem_shared>>
      tpu.wait_dma2 semaphore(%run_scoped3A : memref<!tpu.dma_semaphore, #tpu.memory_space<semaphore_mem>>) src(%arg4 : memref<128x16xf32, #tpu.memory_space<vmem>>) dst(%dma_wait3A_43 : memref<128x16xf32, #tpu.memory_space<vmem_shared>>)
      tpu.yield
    }) : () -> ()
    %add3A_11 = arith.constant 128 : i32
    %add3A_12 = arith.addi %mul3A_8, %add3A_11 : i32
    "tpu.region"() ({
      %run_scoped3A = tpu.sem_alloc : memref<!tpu.dma_semaphore, #tpu.memory_space<semaphore_mem>>
      %dma_start3A = arith.constant 0 : i32
      %dma_start3A_38 = tpu.memref_slice %arg6[%add3A_12, %dma_start3A] : memref<10112x16xf32, #tpu.memory_space<vmem_shared>> -> memref<128x16xf32, #tpu.memory_space<vmem_shared>>
      %dma_start3A_39 = arith.constant 0 : i32
      %dma_start3A_40 = tpu.memref_slice %arg6[%add3A_12, %dma_start3A_39] : memref<10112x16xf32, #tpu.memory_space<vmem_shared>> -> memref<128x16xf32, #tpu.memory_space<vmem_shared>>
      tpu.enqueue_dma source(%arg4 : memref<128x16xf32, #tpu.memory_space<vmem>>) target(%dma_start3A_40 : memref<128x16xf32, #tpu.memory_space<vmem_shared>>) target_semaphore(%run_scoped3A : memref<!tpu.dma_semaphore, #tpu.memory_space<semaphore_mem>>)
      %dma_wait3A = arith.constant 0 : i32
      %dma_wait3A_41 = tpu.memref_slice %arg6[%add3A_12, %dma_wait3A] : memref<10112x16xf32, #tpu.memory_space<vmem_shared>> -> memref<128x16xf32, #tpu.memory_space<vmem_shared>>
      %dma_wait3A_42 = arith.constant 0 : i32
      %dma_wait3A_43 = tpu.memref_slice %arg6[%add3A_12, %dma_wait3A_42] : memref<10112x16xf32, #tpu.memory_space<vmem_shared>> -> memref<128x16xf32, #tpu.memory_space<vmem_shared>>
      tpu.wait_dma2 semaphore(%run_scoped3A : memref<!tpu.dma_semaphore, #tpu.memory_space<semaphore_mem>>) src(%arg4 : memref<128x16xf32, #tpu.memory_space<vmem>>) dst(%dma_wait3A_43 : memref<128x16xf32, #tpu.memory_space<vmem_shared>>)
      tpu.yield
    }) : () -> ()
    %add3A_13 = arith.constant 256 : i32
    %add3A_14 = arith.addi %mul3A_8, %add3A_13 : i32
    "tpu.region"() ({
      %run_scoped3A = tpu.sem_alloc : memref<!tpu.dma_semaphore, #tpu.memory_space<semaphore_mem>>
      %dma_start3A = arith.constant 0 : i32
      %dma_start3A_38 = tpu.memref_slice %arg6[%add3A_14, %dma_start3A] : memref<10112x16xf32, #tpu.memory_space<vmem_shared>> -> memref<128x16xf32, #tpu.memory_space<vmem_shared>>
      %dma_start3A_39 = arith.constant 0 : i32
      %dma_start3A_40 = tpu.memref_slice %arg6[%add3A_14, %dma_start3A_39] : memref<10112x16xf32, #tpu.memory_space<vmem_shared>> -> memref<128x16xf32, #tpu.memory_space<vmem_shared>>
      tpu.enqueue_dma source(%arg4 : memref<128x16xf32, #tpu.memory_space<vmem>>) target(%dma_start3A_40 : memref<128x16xf32, #tpu.memory_space<vmem_shared>>) target_semaphore(%run_scoped3A : memref<!tpu.dma_semaphore, #tpu.memory_space<semaphore_mem>>)
      %dma_wait3A = arith.constant 0 : i32
      %dma_wait3A_41 = tpu.memref_slice %arg6[%add3A_14, %dma_wait3A] : memref<10112x16xf32, #tpu.memory_space<vmem_shared>> -> memref<128x16xf32, #tpu.memory_space<vmem_shared>>
      %dma_wait3A_42 = arith.constant 0 : i32
      %dma_wait3A_43 = tpu.memref_slice %arg6[%add3A_14, %dma_wait3A_42] : memref<10112x16xf32, #tpu.memory_space<vmem_shared>> -> memref<128x16xf32, #tpu.memory_space<vmem_shared>>
      tpu.wait_dma2 semaphore(%run_scoped3A : memref<!tpu.dma_semaphore, #tpu.memory_space<semaphore_mem>>) src(%arg4 : memref<128x16xf32, #tpu.memory_space<vmem>>) dst(%dma_wait3A_43 : memref<128x16xf32, #tpu.memory_space<vmem_shared>>)
      tpu.yield
    }) : () -> ()
    %add3A_15 = arith.constant 384 : i32
    %add3A_16 = arith.addi %mul3A_8, %add3A_15 : i32
    "tpu.region"() ({
      %run_scoped3A = tpu.sem_alloc : memref<!tpu.dma_semaphore, #tpu.memory_space<semaphore_mem>>
      %dma_start3A = arith.constant 0 : i32
      %dma_start3A_38 = tpu.memref_slice %arg6[%add3A_16, %dma_start3A] : memref<10112x16xf32, #tpu.memory_space<vmem_shared>> -> memref<128x16xf32, #tpu.memory_space<vmem_shared>>
      %dma_start3A_39 = arith.constant 0 : i32
      %dma_start3A_40 = tpu.memref_slice %arg6[%add3A_16, %dma_start3A_39] : memref<10112x16xf32, #tpu.memory_space<vmem_shared>> -> memref<128x16xf32, #tpu.memory_space<vmem_shared>>
      tpu.enqueue_dma source(%arg4 : memref<128x16xf32, #tpu.memory_space<vmem>>) target(%dma_start3A_40 : memref<128x16xf32, #tpu.memory_space<vmem_shared>>) target_semaphore(%run_scoped3A : memref<!tpu.dma_semaphore, #tpu.memory_space<semaphore_mem>>)
      %dma_wait3A = arith.constant 0 : i32
      %dma_wait3A_41 = tpu.memref_slice %arg6[%add3A_16, %dma_wait3A] : memref<10112x16xf32, #tpu.memory_space<vmem_shared>> -> memref<128x16xf32, #tpu.memory_space<vmem_shared>>
      %dma_wait3A_42 = arith.constant 0 : i32
      %dma_wait3A_43 = tpu.memref_slice %arg6[%add3A_16, %dma_wait3A_42] : memref<10112x16xf32, #tpu.memory_space<vmem_shared>> -> memref<128x16xf32, #tpu.memory_space<vmem_shared>>
      tpu.wait_dma2 semaphore(%run_scoped3A : memref<!tpu.dma_semaphore, #tpu.memory_space<semaphore_mem>>) src(%arg4 : memref<128x16xf32, #tpu.memory_space<vmem>>) dst(%dma_wait3A_43 : memref<128x16xf32, #tpu.memory_space<vmem_shared>>)
      tpu.yield
    }) : () -> ()
    %add3A_17 = arith.constant 512 : i32
    %add3A_18 = arith.addi %mul3A_8, %add3A_17 : i32
    "tpu.region"() ({
      %run_scoped3A = tpu.sem_alloc : memref<!tpu.dma_semaphore, #tpu.memory_space<semaphore_mem>>
      %dma_start3A = arith.constant 0 : i32
      %dma_start3A_38 = arith.constant 0 : i32
      %dma_start3A_39 = tpu.memref_slice %arg4[%dma_start3A, %dma_start3A_38] : memref<128x16xf32, #tpu.memory_space<vmem>> -> memref<120x16xf32, #tpu.memory_space<vmem>>
      %dma_start3A_40 = arith.constant 0 : i32
      %dma_start3A_41 = tpu.memref_slice %arg6[%add3A_18, %dma_start3A_40] : memref<10112x16xf32, #tpu.memory_space<vmem_shared>> -> memref<120x16xf32, #tpu.memory_space<vmem_shared>>
      %dma_start3A_42 = arith.constant 0 : i32
      %dma_start3A_43 = tpu.memref_slice %arg6[%add3A_18, %dma_start3A_42] : memref<10112x16xf32, #tpu.memory_space<vmem_shared>> -> memref<120x16xf32, #tpu.memory_space<vmem_shared>>
      %dma_start3A_44 = arith.constant 0 : i32
      %dma_start3A_45 = arith.constant 0 : i32
      %dma_start3A_46 = tpu.memref_slice %arg4[%dma_start3A_44, %dma_start3A_45] : memref<128x16xf32, #tpu.memory_space<vmem>> -> memref<120x16xf32, #tpu.memory_space<vmem>>
      tpu.enqueue_dma source(%dma_start3A_46 : memref<120x16xf32, #tpu.memory_space<vmem>>) target(%dma_start3A_43 : memref<120x16xf32, #tpu.memory_space<vmem_shared>>) target_semaphore(%run_scoped3A : memref<!tpu.dma_semaphore, #tpu.memory_space<semaphore_mem>>)
      %dma_wait3A = arith.constant 0 : i32
      %dma_wait3A_47 = arith.constant 0 : i32
      %dma_wait3A_48 = tpu.memref_slice %arg4[%dma_wait3A, %dma_wait3A_47] : memref<128x16xf32, #tpu.memory_space<vmem>> -> memref<120x16xf32, #tpu.memory_space<vmem>>
      %dma_wait3A_49 = arith.constant 0 : i32
      %dma_wait3A_50 = tpu.memref_slice %arg6[%add3A_18, %dma_wait3A_49] : memref<10112x16xf32, #tpu.memory_space<vmem_shared>> -> memref<120x16xf32, #tpu.memory_space<vmem_shared>>
      %dma_wait3A_51 = arith.constant 0 : i32
      %dma_wait3A_52 = tpu.memref_slice %arg6[%add3A_18, %dma_wait3A_51] : memref<10112x16xf32, #tpu.memory_space<vmem_shared>> -> memref<120x16xf32, #tpu.memory_space<vmem_shared>>
      %dma_wait3A_53 = arith.constant 0 : i32
      %dma_wait3A_54 = arith.constant 0 : i32
      %dma_wait3A_55 = tpu.memref_slice %arg4[%dma_wait3A_53, %dma_wait3A_54] : memref<128x16xf32, #tpu.memory_space<vmem>> -> memref<120x16xf32, #tpu.memory_space<vmem>>
      tpu.wait_dma2 semaphore(%run_scoped3A : memref<!tpu.dma_semaphore, #tpu.memory_space<semaphore_mem>>) src(%dma_wait3A_55 : memref<120x16xf32, #tpu.memory_space<vmem>>) dst(%dma_wait3A_52 : memref<120x16xf32, #tpu.memory_space<vmem_shared>>)
      tpu.yield
    }) : () -> ()
    "tpu.region"() ({
      %run_scoped3A = tpu.sem_alloc : memref<!tpu.dma_semaphore, #tpu.memory_space<semaphore_mem>>
      %dma_start3A = arith.constant 0 : i32
      %dma_start3A_38 = arith.constant 0 : i32
      %dma_start3A_39 = tpu.memref_slice %arg2[%add3A, %dma_start3A, %dma_start3A_38] : memref<32x79x128xi32, #tpu.memory_space<hbm>> -> memref<1x79x128xi32, #tpu.memory_space<hbm>>
      %dma_start3A_40 = tpu.memref_squeeze %dma_start3A_39 : memref<1x79x128xi32, #tpu.memory_space<hbm>> -> memref<79x128xi32, #tpu.memory_space<hbm>>
      %dma_start3A_41 = arith.constant 0 : i32
      %dma_start3A_42 = arith.constant 0 : i32
      %dma_start3A_43 = tpu.memref_slice %arg2[%add3A, %dma_start3A_41, %dma_start3A_42] : memref<32x79x128xi32, #tpu.memory_space<hbm>> -> memref<1x79x128xi32, #tpu.memory_space<hbm>>
      %dma_start3A_44 = tpu.memref_squeeze %dma_start3A_43 : memref<1x79x128xi32, #tpu.memory_space<hbm>> -> memref<79x128xi32, #tpu.memory_space<hbm>>
      tpu.enqueue_dma source(%dma_start3A_44 : memref<79x128xi32, #tpu.memory_space<hbm>>) target(%arg5 : memref<79x128xi32, #tpu.memory_space<vmem>>) target_semaphore(%run_scoped3A : memref<!tpu.dma_semaphore, #tpu.memory_space<semaphore_mem>>)
      %dma_wait3A = arith.constant 0 : i32
      %dma_wait3A_45 = arith.constant 0 : i32
      %dma_wait3A_46 = tpu.memref_slice %arg2[%add3A, %dma_wait3A, %dma_wait3A_45] : memref<32x79x128xi32, #tpu.memory_space<hbm>> -> memref<1x79x128xi32, #tpu.memory_space<hbm>>
      %dma_wait3A_47 = tpu.memref_squeeze %dma_wait3A_46 : memref<1x79x128xi32, #tpu.memory_space<hbm>> -> memref<79x128xi32, #tpu.memory_space<hbm>>
      %dma_wait3A_48 = arith.constant 0 : i32
      %dma_wait3A_49 = arith.constant 0 : i32
      %dma_wait3A_50 = tpu.memref_slice %arg2[%add3A, %dma_wait3A_48, %dma_wait3A_49] : memref<32x79x128xi32, #tpu.memory_space<hbm>> -> memref<1x79x128xi32, #tpu.memory_space<hbm>>
      %dma_wait3A_51 = tpu.memref_squeeze %dma_wait3A_50 : memref<1x79x128xi32, #tpu.memory_space<hbm>> -> memref<79x128xi32, #tpu.memory_space<hbm>>
      tpu.wait_dma2 semaphore(%run_scoped3A : memref<!tpu.dma_semaphore, #tpu.memory_space<semaphore_mem>>) src(%dma_wait3A_51 : memref<79x128xi32, #tpu.memory_space<hbm>>) dst(%arg5 : memref<79x128xi32, #tpu.memory_space<vmem>>)
      tpu.yield
    }) : () -> ()
    %broadcast_in_dim3A_19 = arith.constant 1.000000e+00 : f32
    %broadcast_in_dim3A_20 = vector.broadcast %broadcast_in_dim3A_19 : f32 to vector<16xf32>
    %scan3A_21 = arith.constant 0 : i32
    %scan3A_22 = arith.constant 0 : i32
    %scan3A_23 = arith.constant 128 : i32
    %scan3A_24 = arith.addi %scan3A_22, %scan3A_23 : i32
    %scan3A_25 = arith.constant 1 : i32
    scf.for %scan3A_38 = %scan3A_22 to %scan3A_24 step %scan3A_25  : i32 {
      %swap3A = arith.index_cast %scan3A_38 : i32 to index
      %swap3A_39 = arith.constant 0 : index
      %swap3A_40 = tpu.vector_load %arg4[%swap3A, %swap3A_39] {strides = array<i32>} : memref<128x16xf32, #tpu.memory_space<vmem>>, vector<1x16xf32>,
      %swap3A_41 = vector.shape_cast %swap3A_40 : vector<1x16xf32> to vector<16xf32>
      %swap3A_42 = vector.shape_cast %broadcast_in_dim3A_20 : vector<16xf32> to vector<1x16xf32>
      tpu.vector_store %arg4[%swap3A, %swap3A_39], %swap3A_42 {strides = array<i32>} : memref<128x16xf32, #tpu.memory_space<vmem>>, vector<1x16xf32>,
    }
    %scan3A_26 = arith.constant 128 : i32
    %barrier3A = arith.constant 0 : index
    tpu.barrier barrier_id(%barrier3A)
    %scan3A_27 = arith.constant 0 : i32
    %scan3A_28 = arith.constant 0 : i32
    %scan3A_29 = arith.constant 79 : i32
    %scan3A_30 = arith.addi %scan3A_28, %scan3A_29 : i32
    %scan3A_31 = arith.constant 1 : i32
    scf.for %scan3A_38 = %scan3A_28 to %scan3A_30 step %scan3A_31  : i32 {
      "tpu.region"() ({
        %run_scoped3A = tpu.sem_alloc : memref<!tpu.dma_semaphore, #tpu.memory_space<semaphore_mem>>
        %dma_start3A = arith.constant 0 : i32
        %dma_start3A_39 = tpu.memref_slice %arg5[%scan3A_38, %dma_start3A] : memref<79x128xi32, #tpu.memory_space<vmem>> -> memref<1x128xi32, #tpu.memory_space<vmem>>
        %dma_start3A_40 = tpu.memref_squeeze %dma_start3A_39 : memref<1x128xi32, #tpu.memory_space<vmem>> -> memref<128xi32, #tpu.memory_space<vmem>>
        %dma_start3A_41 = arith.constant 0 : i32
        %dma_start3A_42 = arith.constant 0 : i32
        %dma_start3A_43 = tpu.memref_slice %arg6[%dma_start3A_41, %dma_start3A_42] : memref<10112x16xf32, #tpu.memory_space<vmem_shared>> -> memref<10112x16xf32, #tpu.memory_space<vmem_shared>>
        tpu.enqueue_indirect_dma source(%arg4 : memref<128x16xf32, #tpu.memory_space<vmem>>) target(%dma_start3A_43 : memref<10112x16xf32, #tpu.memory_space<vmem_shared>>) offsets(%dma_start3A_40 : memref<128xi32, #tpu.memory_space<vmem>>) semaphore(%run_scoped3A : memref<!tpu.dma_semaphore, #tpu.memory_space<semaphore_mem>>) {add = true}
        %dma_wait3A = arith.constant 0 : i32
        %dma_wait3A_44 = tpu.memref_slice %arg5[%scan3A_38, %dma_wait3A] : memref<79x128xi32, #tpu.memory_space<vmem>> -> memref<1x128xi32, #tpu.memory_space<vmem>>
        %dma_wait3A_45 = tpu.memref_squeeze %dma_wait3A_44 : memref<1x128xi32, #tpu.memory_space<vmem>> -> memref<128xi32, #tpu.memory_space<vmem>>
        %dma_wait3A_46 = arith.constant 0 : i32
        %dma_wait3A_47 = arith.constant 0 : i32
        %dma_wait3A_48 = tpu.memref_slice %arg6[%dma_wait3A_46, %dma_wait3A_47] : memref<10112x16xf32, #tpu.memory_space<vmem_shared>> -> memref<10112x16xf32, #tpu.memory_space<vmem_shared>>
        tpu.wait_indirect_dma semaphore(%run_scoped3A : memref<!tpu.dma_semaphore, #tpu.memory_space<semaphore_mem>>) src(%arg4 : memref<128x16xf32, #tpu.memory_space<vmem>>) dst(%dma_wait3A_48 : memref<10112x16xf32, #tpu.memory_space<vmem_shared>>)
        tpu.yield
      }) : () -> ()
    }
    %scan3A_32 = arith.constant 79 : i32
    %barrier3A_33 = arith.constant 0 : index
    tpu.barrier barrier_id(%barrier3A_33)
    %mul3A_34 = arith.constant 632 : i32
    %mul3A_35 = arith.muli %arg1, %mul3A_34 : i32
    %mul3A_36 = arith.constant 632 : i32
    %mul3A_37 = arith.muli %arg1, %mul3A_36 : i32
    "tpu.region"() ({
      %run_scoped3A = tpu.sem_alloc : memref<!tpu.dma_semaphore, #tpu.memory_space<semaphore_mem>>
      %dma_start3A = arith.constant 0 : i32
      %dma_start3A_38 = tpu.memref_slice %arg3[%arg0, %mul3A_37, %dma_start3A] : memref<2x10112x16xf32, #tpu.memory_space<hbm>> -> memref<1x632x16xf32, #tpu.memory_space<hbm>>
      %dma_start3A_39 = tpu.memref_squeeze %dma_start3A_38 : memref<1x632x16xf32, #tpu.memory_space<hbm>> -> memref<632x16xf32, #tpu.memory_space<hbm>>
      %dma_start3A_40 = arith.constant 0 : i32
      %dma_start3A_41 = tpu.memref_slice %arg6[%mul3A_35, %dma_start3A_40] : memref<10112x16xf32, #tpu.memory_space<vmem_shared>> -> memref<632x16xf32, #tpu.memory_space<vmem_shared>>
      tpu.enqueue_dma source(%dma_start3A_41 : memref<632x16xf32, #tpu.memory_space<vmem_shared>>) target(%dma_start3A_39 : memref<632x16xf32, #tpu.memory_space<hbm>>) target_semaphore(%run_scoped3A : memref<!tpu.dma_semaphore, #tpu.memory_space<semaphore_mem>>)
      %dma_wait3A = arith.constant 0 : i32
      %dma_wait3A_42 = tpu.memref_slice %arg3[%arg0, %mul3A_37, %dma_wait3A] : memref<2x10112x16xf32, #tpu.memory_space<hbm>> -> memref<1x632x16xf32, #tpu.memory_space<hbm>>
      %dma_wait3A_43 = tpu.memref_squeeze %dma_wait3A_42 : memref<1x632x16xf32, #tpu.memory_space<hbm>> -> memref<632x16xf32, #tpu.memory_space<hbm>>
      %dma_wait3A_44 = arith.constant 0 : i32
      %dma_wait3A_45 = tpu.memref_slice %arg6[%mul3A_35, %dma_wait3A_44] : memref<10112x16xf32, #tpu.memory_space<vmem_shared>> -> memref<632x16xf32, #tpu.memory_space<vmem_shared>>
      tpu.wait_dma2 semaphore(%run_scoped3A : memref<!tpu.dma_semaphore, #tpu.memory_space<semaphore_mem>>) src(%dma_wait3A_45 : memref<632x16xf32, #tpu.memory_space<vmem_shared>>) dst(%dma_wait3A_43 : memref<632x16xf32, #tpu.memory_space<hbm>>)
      tpu.yield
    }) : () -> ()
    return
  }
}

#map = affine_map<(d0, d1) -> (0, 0)>
#map1 = affine_map<(d0, d1) -> (0, 0, 0)>
module attributes {stable_mosaic.version = 14 : i64} {
  func.func @k(%arg0: i32, %arg1: i32, %arg2: memref<320000x128xf32, #tpu.memory_space<hbm>>, %arg3: memref<32x79x128xi32, #tpu.memory_space<hbm>>, %arg4: memref<2x10112x128xf32, #tpu.memory_space<hbm>>, %arg5: memref<128x128xf32, #tpu.memory_space<vmem>>, %arg6: memref<128x128xf32, #tpu.memory_space<vmem>>, %arg7: memref<79x128xi32, #tpu.memory_space<vmem>>, %arg8: memref<10112x128xf32, #tpu.memory_space<vmem_shared>>, %arg9: memref<!tpu.dma_semaphore, #tpu.memory_space<semaphore_mem>>, %arg10: memref<!tpu.dma_semaphore, #tpu.memory_space<semaphore_mem>>) attributes {dimension_semantics = [#tpu.dimension_semantics<core_parallel>, #tpu.dimension_semantics<subcore_parallel>], iteration_bounds = array<i64: 2, 16>, scalar_prefetch = 0 : i64, scratch_operands = 6 : i64, tpu.core_type = #tpu.core_type<sc_vector_subcore>, window_params = [{transform_indices = #map}, {transform_indices = #map1}, {transform_indices = #map1}]} {
    %mul3A = arith.constant 16 : i32
    %mul3A_0 = arith.muli %arg0, %mul3A : i32
    %add3A = arith.addi %mul3A_0, %arg1 : i32
    %mul3A_1 = arith.constant 10000 : i32
    %mul3A_2 = arith.muli %add3A, %mul3A_1 : i32
    %broadcast_in_dim3A = arith.constant 0.000000e+00 : f32
    %broadcast_in_dim3A_3 = vector.broadcast %broadcast_in_dim3A : f32 to vector<16xf32>
    %scan3A = arith.constant 0 : i32
    %scan3A_4 = arith.constant 0 : i32
    %scan3A_5 = arith.constant 128 : i32
    %scan3A_6 = arith.addi %scan3A_4, %scan3A_5 : i32
    %scan3A_7 = arith.constant 1 : i32
    scf.for %scan3A_34 = %scan3A_4 to %scan3A_6 step %scan3A_7  : i32 {
      %swap3A = arith.index_cast %scan3A_34 : i32 to index
      %swap3A_35 = arith.constant 0 : index
      %swap3A_36 = tpu.vector_load %arg5[%swap3A, %swap3A_35] {strides = array<i32>} : memref<128x128xf32, #tpu.memory_space<vmem>>, vector<1x16xf32>,
      %swap3A_37 = vector.shape_cast %swap3A_36 : vector<1x16xf32> to vector<16xf32>
      %swap3A_38 = vector.shape_cast %broadcast_in_dim3A_3 : vector<16xf32> to vector<1x16xf32>
      tpu.vector_store %arg5[%swap3A, %swap3A_35], %swap3A_38 {strides = array<i32>} : memref<128x128xf32, #tpu.memory_space<vmem>>, vector<1x16xf32>,
      %swap3A_39 = arith.index_cast %scan3A_34 : i32 to index
      %swap3A_40 = arith.constant 16 : index
      %swap3A_41 = tpu.vector_load %arg5[%swap3A_39, %swap3A_40] {strides = array<i32>} : memref<128x128xf32, #tpu.memory_space<vmem>>, vector<1x16xf32>,
      %swap3A_42 = vector.shape_cast %swap3A_41 : vector<1x16xf32> to vector<16xf32>
      %swap3A_43 = vector.shape_cast %broadcast_in_dim3A_3 : vector<16xf32> to vector<1x16xf32>
      tpu.vector_store %arg5[%swap3A_39, %swap3A_40], %swap3A_43 {strides = array<i32>} : memref<128x128xf32, #tpu.memory_space<vmem>>, vector<1x16xf32>,
      %swap3A_44 = arith.index_cast %scan3A_34 : i32 to index
      %swap3A_45 = arith.constant 32 : index
      %swap3A_46 = tpu.vector_load %arg5[%swap3A_44, %swap3A_45] {strides = array<i32>} : memref<128x128xf32, #tpu.memory_space<vmem>>, vector<1x16xf32>,
      %swap3A_47 = vector.shape_cast %swap3A_46 : vector<1x16xf32> to vector<16xf32>
      %swap3A_48 = vector.shape_cast %broadcast_in_dim3A_3 : vector<16xf32> to vector<1x16xf32>
      tpu.vector_store %arg5[%swap3A_44, %swap3A_45], %swap3A_48 {strides = array<i32>} : memref<128x128xf32, #tpu.memory_space<vmem>>, vector<1x16xf32>,
      %swap3A_49 = arith.index_cast %scan3A_34 : i32 to index
      %swap3A_50 = arith.constant 48 : index
      %swap3A_51 = tpu.vector_load %arg5[%swap3A_49, %swap3A_50] {strides = array<i32>} : memref<128x128xf32, #tpu.memory_space<vmem>>, vector<1x16xf32>,
      %swap3A_52 = vector.shape_cast %swap3A_51 : vector<1x16xf32> to vector<16xf32>
      %swap3A_53 = vector.shape_cast %broadcast_in_dim3A_3 : vector<16xf32> to vector<1x16xf32>
      tpu.vector_store %arg5[%swap3A_49, %swap3A_50], %swap3A_53 {strides = array<i32>} : memref<128x128xf32, #tpu.memory_space<vmem>>, vector<1x16xf32>,
      %swap3A_54 = arith.index_cast %scan3A_34 : i32 to index
      %swap3A_55 = arith.constant 64 : index
      %swap3A_56 = tpu.vector_load %arg5[%swap3A_54, %swap3A_55] {strides = array<i32>} : memref<128x128xf32, #tpu.memory_space<vmem>>, vector<1x16xf32>,
      %swap3A_57 = vector.shape_cast %swap3A_56 : vector<1x16xf32> to vector<16xf32>
      %swap3A_58 = vector.shape_cast %broadcast_in_dim3A_3 : vector<16xf32> to vector<1x16xf32>
      tpu.vector_store %arg5[%swap3A_54, %swap3A_55], %swap3A_58 {strides = array<i32>} : memref<128x128xf32, #tpu.memory_space<vmem>>, vector<1x16xf32>,
      %swap3A_59 = arith.index_cast %scan3A_34 : i32 to index
      %swap3A_60 = arith.constant 80 : index
      %swap3A_61 = tpu.vector_load %arg5[%swap3A_59, %swap3A_60] {strides = array<i32>} : memref<128x128xf32, #tpu.memory_space<vmem>>, vector<1x16xf32>,
      %swap3A_62 = vector.shape_cast %swap3A_61 : vector<1x16xf32> to vector<16xf32>
      %swap3A_63 = vector.shape_cast %broadcast_in_dim3A_3 : vector<16xf32> to vector<1x16xf32>
      tpu.vector_store %arg5[%swap3A_59, %swap3A_60], %swap3A_63 {strides = array<i32>} : memref<128x128xf32, #tpu.memory_space<vmem>>, vector<1x16xf32>,
      %swap3A_64 = arith.index_cast %scan3A_34 : i32 to index
      %swap3A_65 = arith.constant 96 : index
      %swap3A_66 = tpu.vector_load %arg5[%swap3A_64, %swap3A_65] {strides = array<i32>} : memref<128x128xf32, #tpu.memory_space<vmem>>, vector<1x16xf32>,
      %swap3A_67 = vector.shape_cast %swap3A_66 : vector<1x16xf32> to vector<16xf32>
      %swap3A_68 = vector.shape_cast %broadcast_in_dim3A_3 : vector<16xf32> to vector<1x16xf32>
      tpu.vector_store %arg5[%swap3A_64, %swap3A_65], %swap3A_68 {strides = array<i32>} : memref<128x128xf32, #tpu.memory_space<vmem>>, vector<1x16xf32>,
      %swap3A_69 = arith.index_cast %scan3A_34 : i32 to index
      %swap3A_70 = arith.constant 112 : index
      %swap3A_71 = tpu.vector_load %arg5[%swap3A_69, %swap3A_70] {strides = array<i32>} : memref<128x128xf32, #tpu.memory_space<vmem>>, vector<1x16xf32>,
      %swap3A_72 = vector.shape_cast %swap3A_71 : vector<1x16xf32> to vector<16xf32>
      %swap3A_73 = vector.shape_cast %broadcast_in_dim3A_3 : vector<16xf32> to vector<1x16xf32>
      tpu.vector_store %arg5[%swap3A_69, %swap3A_70], %swap3A_73 {strides = array<i32>} : memref<128x128xf32, #tpu.memory_space<vmem>>, vector<1x16xf32>,
    }
    %scan3A_8 = arith.constant 128 : i32
    %mul3A_9 = arith.constant 632 : i32
    %mul3A_10 = arith.muli %arg1, %mul3A_9 : i32
    %add3A_11 = arith.constant 0 : i32
    %add3A_12 = arith.addi %mul3A_10, %add3A_11 : i32
    "tpu.region"() ({
      %run_scoped3A_34 = tpu.sem_alloc : memref<!tpu.dma_semaphore, #tpu.memory_space<semaphore_mem>>
      %dma_start3A = arith.constant 0 : i32
      %dma_start3A_35 = tpu.memref_slice %arg8[%add3A_12, %dma_start3A] : memref<10112x128xf32, #tpu.memory_space<vmem_shared>> -> memref<128x128xf32, #tpu.memory_space<vmem_shared>>
      %dma_start3A_36 = arith.constant 0 : i32
      %dma_start3A_37 = tpu.memref_slice %arg8[%add3A_12, %dma_start3A_36] : memref<10112x128xf32, #tpu.memory_space<vmem_shared>> -> memref<128x128xf32, #tpu.memory_space<vmem_shared>>
      tpu.enqueue_dma source(%arg5 : memref<128x128xf32, #tpu.memory_space<vmem>>) target(%dma_start3A_37 : memref<128x128xf32, #tpu.memory_space<vmem_shared>>) target_semaphore(%run_scoped3A_34 : memref<!tpu.dma_semaphore, #tpu.memory_space<semaphore_mem>>)
      %dma_wait3A = arith.constant 0 : i32
      %dma_wait3A_38 = tpu.memref_slice %arg8[%add3A_12, %dma_wait3A] : memref<10112x128xf32, #tpu.memory_space<vmem_shared>> -> memref<128x128xf32, #tpu.memory_space<vmem_shared>>
      %dma_wait3A_39 = arith.constant 0 : i32
      %dma_wait3A_40 = tpu.memref_slice %arg8[%add3A_12, %dma_wait3A_39] : memref<10112x128xf32, #tpu.memory_space<vmem_shared>> -> memref<128x128xf32, #tpu.memory_space<vmem_shared>>
      tpu.wait_dma2 semaphore(%run_scoped3A_34 : memref<!tpu.dma_semaphore, #tpu.memory_space<semaphore_mem>>) src(%arg5 : memref<128x128xf32, #tpu.memory_space<vmem>>) dst(%dma_wait3A_40 : memref<128x128xf32, #tpu.memory_space<vmem_shared>>)
      tpu.yield
    }) : () -> ()
    %add3A_13 = arith.constant 128 : i32
    %add3A_14 = arith.addi %mul3A_10, %add3A_13 : i32
    "tpu.region"() ({
      %run_scoped3A_34 = tpu.sem_alloc : memref<!tpu.dma_semaphore, #tpu.memory_space<semaphore_mem>>
      %dma_start3A = arith.constant 0 : i32
      %dma_start3A_35 = tpu.memref_slice %arg8[%add3A_14, %dma_start3A] : memref<10112x128xf32, #tpu.memory_space<vmem_shared>> -> memref<128x128xf32, #tpu.memory_space<vmem_shared>>
      %dma_start3A_36 = arith.constant 0 : i32
      %dma_start3A_37 = tpu.memref_slice %arg8[%add3A_14, %dma_start3A_36] : memref<10112x128xf32, #tpu.memory_space<vmem_shared>> -> memref<128x128xf32, #tpu.memory_space<vmem_shared>>
      tpu.enqueue_dma source(%arg5 : memref<128x128xf32, #tpu.memory_space<vmem>>) target(%dma_start3A_37 : memref<128x128xf32, #tpu.memory_space<vmem_shared>>) target_semaphore(%run_scoped3A_34 : memref<!tpu.dma_semaphore, #tpu.memory_space<semaphore_mem>>)
      %dma_wait3A = arith.constant 0 : i32
      %dma_wait3A_38 = tpu.memref_slice %arg8[%add3A_14, %dma_wait3A] : memref<10112x128xf32, #tpu.memory_space<vmem_shared>> -> memref<128x128xf32, #tpu.memory_space<vmem_shared>>
      %dma_wait3A_39 = arith.constant 0 : i32
      %dma_wait3A_40 = tpu.memref_slice %arg8[%add3A_14, %dma_wait3A_39] : memref<10112x128xf32, #tpu.memory_space<vmem_shared>> -> memref<128x128xf32, #tpu.memory_space<vmem_shared>>
      tpu.wait_dma2 semaphore(%run_scoped3A_34 : memref<!tpu.dma_semaphore, #tpu.memory_space<semaphore_mem>>) src(%arg5 : memref<128x128xf32, #tpu.memory_space<vmem>>) dst(%dma_wait3A_40 : memref<128x128xf32, #tpu.memory_space<vmem_shared>>)
      tpu.yield
    }) : () -> ()
    %add3A_15 = arith.constant 256 : i32
    %add3A_16 = arith.addi %mul3A_10, %add3A_15 : i32
    "tpu.region"() ({
      %run_scoped3A_34 = tpu.sem_alloc : memref<!tpu.dma_semaphore, #tpu.memory_space<semaphore_mem>>
      %dma_start3A = arith.constant 0 : i32
      %dma_start3A_35 = tpu.memref_slice %arg8[%add3A_16, %dma_start3A] : memref<10112x128xf32, #tpu.memory_space<vmem_shared>> -> memref<128x128xf32, #tpu.memory_space<vmem_shared>>
      %dma_start3A_36 = arith.constant 0 : i32
      %dma_start3A_37 = tpu.memref_slice %arg8[%add3A_16, %dma_start3A_36] : memref<10112x128xf32, #tpu.memory_space<vmem_shared>> -> memref<128x128xf32, #tpu.memory_space<vmem_shared>>
      tpu.enqueue_dma source(%arg5 : memref<128x128xf32, #tpu.memory_space<vmem>>) target(%dma_start3A_37 : memref<128x128xf32, #tpu.memory_space<vmem_shared>>) target_semaphore(%run_scoped3A_34 : memref<!tpu.dma_semaphore, #tpu.memory_space<semaphore_mem>>)
      %dma_wait3A = arith.constant 0 : i32
      %dma_wait3A_38 = tpu.memref_slice %arg8[%add3A_16, %dma_wait3A] : memref<10112x128xf32, #tpu.memory_space<vmem_shared>> -> memref<128x128xf32, #tpu.memory_space<vmem_shared>>
      %dma_wait3A_39 = arith.constant 0 : i32
      %dma_wait3A_40 = tpu.memref_slice %arg8[%add3A_16, %dma_wait3A_39] : memref<10112x128xf32, #tpu.memory_space<vmem_shared>> -> memref<128x128xf32, #tpu.memory_space<vmem_shared>>
      tpu.wait_dma2 semaphore(%run_scoped3A_34 : memref<!tpu.dma_semaphore, #tpu.memory_space<semaphore_mem>>) src(%arg5 : memref<128x128xf32, #tpu.memory_space<vmem>>) dst(%dma_wait3A_40 : memref<128x128xf32, #tpu.memory_space<vmem_shared>>)
      tpu.yield
    }) : () -> ()
    %add3A_17 = arith.constant 384 : i32
    %add3A_18 = arith.addi %mul3A_10, %add3A_17 : i32
    "tpu.region"() ({
      %run_scoped3A_34 = tpu.sem_alloc : memref<!tpu.dma_semaphore, #tpu.memory_space<semaphore_mem>>
      %dma_start3A = arith.constant 0 : i32
      %dma_start3A_35 = tpu.memref_slice %arg8[%add3A_18, %dma_start3A] : memref<10112x128xf32, #tpu.memory_space<vmem_shared>> -> memref<128x128xf32, #tpu.memory_space<vmem_shared>>
      %dma_start3A_36 = arith.constant 0 : i32
      %dma_start3A_37 = tpu.memref_slice %arg8[%add3A_18, %dma_start3A_36] : memref<10112x128xf32, #tpu.memory_space<vmem_shared>> -> memref<128x128xf32, #tpu.memory_space<vmem_shared>>
      tpu.enqueue_dma source(%arg5 : memref<128x128xf32, #tpu.memory_space<vmem>>) target(%dma_start3A_37 : memref<128x128xf32, #tpu.memory_space<vmem_shared>>) target_semaphore(%run_scoped3A_34 : memref<!tpu.dma_semaphore, #tpu.memory_space<semaphore_mem>>)
      %dma_wait3A = arith.constant 0 : i32
      %dma_wait3A_38 = tpu.memref_slice %arg8[%add3A_18, %dma_wait3A] : memref<10112x128xf32, #tpu.memory_space<vmem_shared>> -> memref<128x128xf32, #tpu.memory_space<vmem_shared>>
      %dma_wait3A_39 = arith.constant 0 : i32
      %dma_wait3A_40 = tpu.memref_slice %arg8[%add3A_18, %dma_wait3A_39] : memref<10112x128xf32, #tpu.memory_space<vmem_shared>> -> memref<128x128xf32, #tpu.memory_space<vmem_shared>>
      tpu.wait_dma2 semaphore(%run_scoped3A_34 : memref<!tpu.dma_semaphore, #tpu.memory_space<semaphore_mem>>) src(%arg5 : memref<128x128xf32, #tpu.memory_space<vmem>>) dst(%dma_wait3A_40 : memref<128x128xf32, #tpu.memory_space<vmem_shared>>)
      tpu.yield
    }) : () -> ()
    %add3A_19 = arith.constant 512 : i32
    %add3A_20 = arith.addi %mul3A_10, %add3A_19 : i32
    "tpu.region"() ({
      %run_scoped3A_34 = tpu.sem_alloc : memref<!tpu.dma_semaphore, #tpu.memory_space<semaphore_mem>>
      %dma_start3A = arith.constant 0 : i32
      %dma_start3A_35 = arith.constant 0 : i32
      %dma_start3A_36 = tpu.memref_slice %arg5[%dma_start3A, %dma_start3A_35] : memref<128x128xf32, #tpu.memory_space<vmem>> -> memref<120x128xf32, #tpu.memory_space<vmem>>
      %dma_start3A_37 = arith.constant 0 : i32
      %dma_start3A_38 = tpu.memref_slice %arg8[%add3A_20, %dma_start3A_37] : memref<10112x128xf32, #tpu.memory_space<vmem_shared>> -> memref<120x128xf32, #tpu.memory_space<vmem_shared>>
      %dma_start3A_39 = arith.constant 0 : i32
      %dma_start3A_40 = tpu.memref_slice %arg8[%add3A_20, %dma_start3A_39] : memref<10112x128xf32, #tpu.memory_space<vmem_shared>> -> memref<120x128xf32, #tpu.memory_space<vmem_shared>>
      %dma_start3A_41 = arith.constant 0 : i32
      %dma_start3A_42 = arith.constant 0 : i32
      %dma_start3A_43 = tpu.memref_slice %arg5[%dma_start3A_41, %dma_start3A_42] : memref<128x128xf32, #tpu.memory_space<vmem>> -> memref<120x128xf32, #tpu.memory_space<vmem>>
      tpu.enqueue_dma source(%dma_start3A_43 : memref<120x128xf32, #tpu.memory_space<vmem>>) target(%dma_start3A_40 : memref<120x128xf32, #tpu.memory_space<vmem_shared>>) target_semaphore(%run_scoped3A_34 : memref<!tpu.dma_semaphore, #tpu.memory_space<semaphore_mem>>)
      %dma_wait3A = arith.constant 0 : i32
      %dma_wait3A_44 = arith.constant 0 : i32
      %dma_wait3A_45 = tpu.memref_slice %arg5[%dma_wait3A, %dma_wait3A_44] : memref<128x128xf32, #tpu.memory_space<vmem>> -> memref<120x128xf32, #tpu.memory_space<vmem>>
      %dma_wait3A_46 = arith.constant 0 : i32
      %dma_wait3A_47 = tpu.memref_slice %arg8[%add3A_20, %dma_wait3A_46] : memref<10112x128xf32, #tpu.memory_space<vmem_shared>> -> memref<120x128xf32, #tpu.memory_space<vmem_shared>>
      %dma_wait3A_48 = arith.constant 0 : i32
      %dma_wait3A_49 = tpu.memref_slice %arg8[%add3A_20, %dma_wait3A_48] : memref<10112x128xf32, #tpu.memory_space<vmem_shared>> -> memref<120x128xf32, #tpu.memory_space<vmem_shared>>
      %dma_wait3A_50 = arith.constant 0 : i32
      %dma_wait3A_51 = arith.constant 0 : i32
      %dma_wait3A_52 = tpu.memref_slice %arg5[%dma_wait3A_50, %dma_wait3A_51] : memref<128x128xf32, #tpu.memory_space<vmem>> -> memref<120x128xf32, #tpu.memory_space<vmem>>
      tpu.wait_dma2 semaphore(%run_scoped3A_34 : memref<!tpu.dma_semaphore, #tpu.memory_space<semaphore_mem>>) src(%dma_wait3A_52 : memref<120x128xf32, #tpu.memory_space<vmem>>) dst(%dma_wait3A_49 : memref<120x128xf32, #tpu.memory_space<vmem_shared>>)
      tpu.yield
    }) : () -> ()
    "tpu.region"() ({
      %run_scoped3A_34 = tpu.sem_alloc : memref<!tpu.dma_semaphore, #tpu.memory_space<semaphore_mem>>
      %dma_start3A = arith.constant 0 : i32
      %dma_start3A_35 = arith.constant 0 : i32
      %dma_start3A_36 = tpu.memref_slice %arg3[%add3A, %dma_start3A, %dma_start3A_35] : memref<32x79x128xi32, #tpu.memory_space<hbm>> -> memref<1x79x128xi32, #tpu.memory_space<hbm>>
      %dma_start3A_37 = tpu.memref_squeeze %dma_start3A_36 : memref<1x79x128xi32, #tpu.memory_space<hbm>> -> memref<79x128xi32, #tpu.memory_space<hbm>>
      %dma_start3A_38 = arith.constant 0 : i32
      %dma_start3A_39 = arith.constant 0 : i32
      %dma_start3A_40 = tpu.memref_slice %arg3[%add3A, %dma_start3A_38, %dma_start3A_39] : memref<32x79x128xi32, #tpu.memory_space<hbm>> -> memref<1x79x128xi32, #tpu.memory_space<hbm>>
      %dma_start3A_41 = tpu.memref_squeeze %dma_start3A_40 : memref<1x79x128xi32, #tpu.memory_space<hbm>> -> memref<79x128xi32, #tpu.memory_space<hbm>>
      tpu.enqueue_dma source(%dma_start3A_41 : memref<79x128xi32, #tpu.memory_space<hbm>>) target(%arg7 : memref<79x128xi32, #tpu.memory_space<vmem>>) target_semaphore(%run_scoped3A_34 : memref<!tpu.dma_semaphore, #tpu.memory_space<semaphore_mem>>)
      %dma_wait3A = arith.constant 0 : i32
      %dma_wait3A_42 = arith.constant 0 : i32
      %dma_wait3A_43 = tpu.memref_slice %arg3[%add3A, %dma_wait3A, %dma_wait3A_42] : memref<32x79x128xi32, #tpu.memory_space<hbm>> -> memref<1x79x128xi32, #tpu.memory_space<hbm>>
      %dma_wait3A_44 = tpu.memref_squeeze %dma_wait3A_43 : memref<1x79x128xi32, #tpu.memory_space<hbm>> -> memref<79x128xi32, #tpu.memory_space<hbm>>
      %dma_wait3A_45 = arith.constant 0 : i32
      %dma_wait3A_46 = arith.constant 0 : i32
      %dma_wait3A_47 = tpu.memref_slice %arg3[%add3A, %dma_wait3A_45, %dma_wait3A_46] : memref<32x79x128xi32, #tpu.memory_space<hbm>> -> memref<1x79x128xi32, #tpu.memory_space<hbm>>
      %dma_wait3A_48 = tpu.memref_squeeze %dma_wait3A_47 : memref<1x79x128xi32, #tpu.memory_space<hbm>> -> memref<79x128xi32, #tpu.memory_space<hbm>>
      tpu.wait_dma2 semaphore(%run_scoped3A_34 : memref<!tpu.dma_semaphore, #tpu.memory_space<semaphore_mem>>) src(%dma_wait3A_48 : memref<79x128xi32, #tpu.memory_space<hbm>>) dst(%arg7 : memref<79x128xi32, #tpu.memory_space<vmem>>)
      tpu.yield
    }) : () -> ()
    %barrier3A = arith.constant 0 : index
    tpu.barrier barrier_id(%barrier3A)
    "tpu.region"() ({
      %run_scoped3A_34 = tpu.sem_alloc : memref<!tpu.dma_semaphore, #tpu.memory_space<semaphore_mem>>
      %dma_start3A = arith.constant 0 : i32
      %dma_start3A_35 = tpu.memref_slice %arg2[%mul3A_2, %dma_start3A] : memref<320000x128xf32, #tpu.memory_space<hbm>> -> memref<128x128xf32, #tpu.memory_space<hbm>>
      %dma_start3A_36 = arith.constant 0 : i32
      %dma_start3A_37 = tpu.memref_slice %arg2[%mul3A_2, %dma_start3A_36] : memref<320000x128xf32, #tpu.memory_space<hbm>> -> memref<128x128xf32, #tpu.memory_space<hbm>>
      tpu.enqueue_dma source(%dma_start3A_37 : memref<128x128xf32, #tpu.memory_space<hbm>>) target(%arg5 : memref<128x128xf32, #tpu.memory_space<vmem>>) target_semaphore(%run_scoped3A_34 : memref<!tpu.dma_semaphore, #tpu.memory_space<semaphore_mem>>)
      %dma_wait3A = arith.constant 0 : i32
      %dma_wait3A_38 = tpu.memref_slice %arg2[%mul3A_2, %dma_wait3A] : memref<320000x128xf32, #tpu.memory_space<hbm>> -> memref<128x128xf32, #tpu.memory_space<hbm>>
      %dma_wait3A_39 = arith.constant 0 : i32
      %dma_wait3A_40 = tpu.memref_slice %arg2[%mul3A_2, %dma_wait3A_39] : memref<320000x128xf32, #tpu.memory_space<hbm>> -> memref<128x128xf32, #tpu.memory_space<hbm>>
      tpu.wait_dma2 semaphore(%run_scoped3A_34 : memref<!tpu.dma_semaphore, #tpu.memory_space<semaphore_mem>>) src(%dma_wait3A_40 : memref<128x128xf32, #tpu.memory_space<hbm>>) dst(%arg5 : memref<128x128xf32, #tpu.memory_space<vmem>>)
      tpu.yield
    }) : () -> ()
    %scan3A_21 = arith.constant 0 : i32
    %scan3A_22 = arith.constant 0 : i32
    %scan3A_23 = arith.constant 39 : i32
    %scan3A_24 = arith.addi %scan3A_22, %scan3A_23 : i32
    %scan3A_25 = arith.constant 1 : i32
    scf.for %scan3A_34 = %scan3A_22 to %scan3A_24 step %scan3A_25  : i32 {
      %mul3A_35 = arith.constant 2 : i32
      %mul3A_36 = arith.muli %mul3A_35, %scan3A_34 : i32
      %dma_start3A = arith.constant 0 : i32
      %dma_start3A_37 = tpu.memref_slice %arg7[%mul3A_36, %dma_start3A] : memref<79x128xi32, #tpu.memory_space<vmem>> -> memref<1x128xi32, #tpu.memory_space<vmem>>
      %dma_start3A_38 = tpu.memref_squeeze %dma_start3A_37 : memref<1x128xi32, #tpu.memory_space<vmem>> -> memref<128xi32, #tpu.memory_space<vmem>>
      %dma_start3A_39 = arith.constant 0 : i32
      %dma_start3A_40 = arith.constant 0 : i32
      %dma_start3A_41 = tpu.memref_slice %arg8[%dma_start3A_39, %dma_start3A_40] : memref<10112x128xf32, #tpu.memory_space<vmem_shared>> -> memref<10112x128xf32, #tpu.memory_space<vmem_shared>>
      tpu.enqueue_indirect_dma source(%arg5 : memref<128x128xf32, #tpu.memory_space<vmem>>) target(%dma_start3A_41 : memref<10112x128xf32, #tpu.memory_space<vmem_shared>>) offsets(%dma_start3A_38 : memref<128xi32, #tpu.memory_space<vmem>>) semaphore(%arg9 : memref<!tpu.dma_semaphore, #tpu.memory_space<semaphore_mem>>) {add = true}
      %add3A_42 = arith.constant 1 : i32
      %add3A_43 = arith.addi %mul3A_36, %add3A_42 : i32
      %mul3A_44 = arith.constant 128 : i32
      %mul3A_45 = arith.muli %add3A_43, %mul3A_44 : i32
      %add3A_46 = arith.addi %mul3A_2, %mul3A_45 : i32
      "tpu.region"() ({
        %run_scoped3A_72 = tpu.sem_alloc : memref<!tpu.dma_semaphore, #tpu.memory_space<semaphore_mem>>
        %dma_start3A_73 = arith.constant 0 : i32
        %dma_start3A_74 = tpu.memref_slice %arg2[%add3A_46, %dma_start3A_73] : memref<320000x128xf32, #tpu.memory_space<hbm>> -> memref<128x128xf32, #tpu.memory_space<hbm>>
        %dma_start3A_75 = arith.constant 0 : i32
        %dma_start3A_76 = tpu.memref_slice %arg2[%add3A_46, %dma_start3A_75] : memref<320000x128xf32, #tpu.memory_space<hbm>> -> memref<128x128xf32, #tpu.memory_space<hbm>>
        tpu.enqueue_dma source(%dma_start3A_76 : memref<128x128xf32, #tpu.memory_space<hbm>>) target(%arg6 : memref<128x128xf32, #tpu.memory_space<vmem>>) target_semaphore(%run_scoped3A_72 : memref<!tpu.dma_semaphore, #tpu.memory_space<semaphore_mem>>)
        %dma_wait3A_77 = arith.constant 0 : i32
        %dma_wait3A_78 = tpu.memref_slice %arg2[%add3A_46, %dma_wait3A_77] : memref<320000x128xf32, #tpu.memory_space<hbm>> -> memref<128x128xf32, #tpu.memory_space<hbm>>
        %dma_wait3A_79 = arith.constant 0 : i32
        %dma_wait3A_80 = tpu.memref_slice %arg2[%add3A_46, %dma_wait3A_79] : memref<320000x128xf32, #tpu.memory_space<hbm>> -> memref<128x128xf32, #tpu.memory_space<hbm>>
        tpu.wait_dma2 semaphore(%run_scoped3A_72 : memref<!tpu.dma_semaphore, #tpu.memory_space<semaphore_mem>>) src(%dma_wait3A_80 : memref<128x128xf32, #tpu.memory_space<hbm>>) dst(%arg6 : memref<128x128xf32, #tpu.memory_space<vmem>>)
        tpu.yield
      }) : () -> ()
      %add3A_47 = arith.constant 1 : i32
      %add3A_48 = arith.addi %mul3A_36, %add3A_47 : i32
      %dma_start3A_49 = arith.constant 0 : i32
      %dma_start3A_50 = tpu.memref_slice %arg7[%add3A_48, %dma_start3A_49] : memref<79x128xi32, #tpu.memory_space<vmem>> -> memref<1x128xi32, #tpu.memory_space<vmem>>
      %dma_start3A_51 = tpu.memref_squeeze %dma_start3A_50 : memref<1x128xi32, #tpu.memory_space<vmem>> -> memref<128xi32, #tpu.memory_space<vmem>>
      %dma_start3A_52 = arith.constant 0 : i32
      %dma_start3A_53 = arith.constant 0 : i32
      %dma_start3A_54 = tpu.memref_slice %arg8[%dma_start3A_52, %dma_start3A_53] : memref<10112x128xf32, #tpu.memory_space<vmem_shared>> -> memref<10112x128xf32, #tpu.memory_space<vmem_shared>>
      tpu.enqueue_indirect_dma source(%arg6 : memref<128x128xf32, #tpu.memory_space<vmem>>) target(%dma_start3A_54 : memref<10112x128xf32, #tpu.memory_space<vmem_shared>>) offsets(%dma_start3A_51 : memref<128xi32, #tpu.memory_space<vmem>>) semaphore(%arg10 : memref<!tpu.dma_semaphore, #tpu.memory_space<semaphore_mem>>) {add = true}
      %dma_wait3A = arith.constant 0 : i32
      %dma_wait3A_55 = tpu.memref_slice %arg7[%mul3A_36, %dma_wait3A] : memref<79x128xi32, #tpu.memory_space<vmem>> -> memref<1x128xi32, #tpu.memory_space<vmem>>
      %dma_wait3A_56 = tpu.memref_squeeze %dma_wait3A_55 : memref<1x128xi32, #tpu.memory_space<vmem>> -> memref<128xi32, #tpu.memory_space<vmem>>
      %dma_wait3A_57 = arith.constant 0 : i32
      %dma_wait3A_58 = arith.constant 0 : i32
      %dma_wait3A_59 = tpu.memref_slice %arg8[%dma_wait3A_57, %dma_wait3A_58] : memref<10112x128xf32, #tpu.memory_space<vmem_shared>> -> memref<10112x128xf32, #tpu.memory_space<vmem_shared>>
      tpu.wait_indirect_dma semaphore(%arg9 : memref<!tpu.dma_semaphore, #tpu.memory_space<semaphore_mem>>) src(%arg5 : memref<128x128xf32, #tpu.memory_space<vmem>>) dst(%dma_wait3A_59 : memref<10112x128xf32, #tpu.memory_space<vmem_shared>>)
      %add3A_60 = arith.constant 2 : i32
      %add3A_61 = arith.addi %mul3A_36, %add3A_60 : i32
      %min3A = arith.constant 77 : i32
      %min3A_62 = arith.minsi %add3A_61, %min3A : i32
      %mul3A_63 = arith.constant 128 : i32
      %mul3A_64 = arith.muli %min3A_62, %mul3A_63 : i32
      %add3A_65 = arith.addi %mul3A_2, %mul3A_64 : i32
      "tpu.region"() ({
        %run_scoped3A_72 = tpu.sem_alloc : memref<!tpu.dma_semaphore, #tpu.memory_space<semaphore_mem>>
        %dma_start3A_73 = arith.constant 0 : i32
        %dma_start3A_74 = tpu.memref_slice %arg2[%add3A_65, %dma_start3A_73] : memref<320000x128xf32, #tpu.memory_space<hbm>> -> memref<128x128xf32, #tpu.memory_space<hbm>>
        %dma_start3A_75 = arith.constant 0 : i32
        %dma_start3A_76 = tpu.memref_slice %arg2[%add3A_65, %dma_start3A_75] : memref<320000x128xf32, #tpu.memory_space<hbm>> -> memref<128x128xf32, #tpu.memory_space<hbm>>
        tpu.enqueue_dma source(%dma_start3A_76 : memref<128x128xf32, #tpu.memory_space<hbm>>) target(%arg5 : memref<128x128xf32, #tpu.memory_space<vmem>>) target_semaphore(%run_scoped3A_72 : memref<!tpu.dma_semaphore, #tpu.memory_space<semaphore_mem>>)
        %dma_wait3A_77 = arith.constant 0 : i32
        %dma_wait3A_78 = tpu.memref_slice %arg2[%add3A_65, %dma_wait3A_77] : memref<320000x128xf32, #tpu.memory_space<hbm>> -> memref<128x128xf32, #tpu.memory_space<hbm>>
        %dma_wait3A_79 = arith.constant 0 : i32
        %dma_wait3A_80 = tpu.memref_slice %arg2[%add3A_65, %dma_wait3A_79] : memref<320000x128xf32, #tpu.memory_space<hbm>> -> memref<128x128xf32, #tpu.memory_space<hbm>>
        tpu.wait_dma2 semaphore(%run_scoped3A_72 : memref<!tpu.dma_semaphore, #tpu.memory_space<semaphore_mem>>) src(%dma_wait3A_80 : memref<128x128xf32, #tpu.memory_space<hbm>>) dst(%arg5 : memref<128x128xf32, #tpu.memory_space<vmem>>)
        tpu.yield
      }) : () -> ()
      %dma_wait3A_66 = arith.constant 0 : i32
      %dma_wait3A_67 = tpu.memref_slice %arg7[%add3A_48, %dma_wait3A_66] : memref<79x128xi32, #tpu.memory_space<vmem>> -> memref<1x128xi32, #tpu.memory_space<vmem>>
      %dma_wait3A_68 = tpu.memref_squeeze %dma_wait3A_67 : memref<1x128xi32, #tpu.memory_space<vmem>> -> memref<128xi32, #tpu.memory_space<vmem>>
      %dma_wait3A_69 = arith.constant 0 : i32
      %dma_wait3A_70 = arith.constant 0 : i32
      %dma_wait3A_71 = tpu.memref_slice %arg8[%dma_wait3A_69, %dma_wait3A_70] : memref<10112x128xf32, #tpu.memory_space<vmem_shared>> -> memref<10112x128xf32, #tpu.memory_space<vmem_shared>>
      tpu.wait_indirect_dma semaphore(%arg10 : memref<!tpu.dma_semaphore, #tpu.memory_space<semaphore_mem>>) src(%arg6 : memref<128x128xf32, #tpu.memory_space<vmem>>) dst(%dma_wait3A_71 : memref<10112x128xf32, #tpu.memory_space<vmem_shared>>)
    }
    %scan3A_26 = arith.constant 39 : i32
    %add3A_27 = arith.constant 9984 : i32
    %add3A_28 = arith.addi %mul3A_2, %add3A_27 : i32
    "tpu.region"() ({
      %run_scoped3A_34 = tpu.sem_alloc : memref<!tpu.dma_semaphore, #tpu.memory_space<semaphore_mem>>
      %dma_start3A = arith.constant 0 : i32
      %dma_start3A_35 = arith.constant 0 : i32
      %dma_start3A_36 = tpu.memref_slice %arg5[%dma_start3A, %dma_start3A_35] : memref<128x128xf32, #tpu.memory_space<vmem>> -> memref<16x128xf32, #tpu.memory_space<vmem>>
      %dma_start3A_37 = arith.constant 0 : i32
      %dma_start3A_38 = tpu.memref_slice %arg2[%add3A_28, %dma_start3A_37] : memref<320000x128xf32, #tpu.memory_space<hbm>> -> memref<16x128xf32, #tpu.memory_space<hbm>>
      %dma_start3A_39 = arith.constant 0 : i32
      %dma_start3A_40 = arith.constant 0 : i32
      %dma_start3A_41 = tpu.memref_slice %arg5[%dma_start3A_39, %dma_start3A_40] : memref<128x128xf32, #tpu.memory_space<vmem>> -> memref<16x128xf32, #tpu.memory_space<vmem>>
      %dma_start3A_42 = arith.constant 0 : i32
      %dma_start3A_43 = tpu.memref_slice %arg2[%add3A_28, %dma_start3A_42] : memref<320000x128xf32, #tpu.memory_space<hbm>> -> memref<16x128xf32, #tpu.memory_space<hbm>>
      tpu.enqueue_dma source(%dma_start3A_43 : memref<16x128xf32, #tpu.memory_space<hbm>>) target(%dma_start3A_41 : memref<16x128xf32, #tpu.memory_space<vmem>>) target_semaphore(%run_scoped3A_34 : memref<!tpu.dma_semaphore, #tpu.memory_space<semaphore_mem>>)
      %dma_wait3A = arith.constant 0 : i32
      %dma_wait3A_44 = arith.constant 0 : i32
      %dma_wait3A_45 = tpu.memref_slice %arg5[%dma_wait3A, %dma_wait3A_44] : memref<128x128xf32, #tpu.memory_space<vmem>> -> memref<16x128xf32, #tpu.memory_space<vmem>>
      %dma_wait3A_46 = arith.constant 0 : i32
      %dma_wait3A_47 = tpu.memref_slice %arg2[%add3A_28, %dma_wait3A_46] : memref<320000x128xf32, #tpu.memory_space<hbm>> -> memref<16x128xf32, #tpu.memory_space<hbm>>
      %dma_wait3A_48 = arith.constant 0 : i32
      %dma_wait3A_49 = arith.constant 0 : i32
      %dma_wait3A_50 = tpu.memref_slice %arg5[%dma_wait3A_48, %dma_wait3A_49] : memref<128x128xf32, #tpu.memory_space<vmem>> -> memref<16x128xf32, #tpu.memory_space<vmem>>
      %dma_wait3A_51 = arith.constant 0 : i32
      %dma_wait3A_52 = tpu.memref_slice %arg2[%add3A_28, %dma_wait3A_51] : memref<320000x128xf32, #tpu.memory_space<hbm>> -> memref<16x128xf32, #tpu.memory_space<hbm>>
      tpu.wait_dma2 semaphore(%run_scoped3A_34 : memref<!tpu.dma_semaphore, #tpu.memory_space<semaphore_mem>>) src(%dma_wait3A_52 : memref<16x128xf32, #tpu.memory_space<hbm>>) dst(%dma_wait3A_50 : memref<16x128xf32, #tpu.memory_space<vmem>>)
      tpu.yield
    }) : () -> ()
    %run_scoped3A = arith.constant 78 : i32
    "tpu.region"() ({
      %run_scoped3A_34 = tpu.sem_alloc : memref<!tpu.dma_semaphore, #tpu.memory_space<semaphore_mem>>
      %dma_start3A = arith.constant 0 : i32
      %dma_start3A_35 = tpu.memref_slice %arg7[%run_scoped3A, %dma_start3A] : memref<79x128xi32, #tpu.memory_space<vmem>> -> memref<1x128xi32, #tpu.memory_space<vmem>>
      %dma_start3A_36 = tpu.memref_squeeze %dma_start3A_35 : memref<1x128xi32, #tpu.memory_space<vmem>> -> memref<128xi32, #tpu.memory_space<vmem>>
      %dma_start3A_37 = arith.constant 0 : i32
      %dma_start3A_38 = arith.constant 0 : i32
      %dma_start3A_39 = tpu.memref_slice %arg8[%dma_start3A_37, %dma_start3A_38] : memref<10112x128xf32, #tpu.memory_space<vmem_shared>> -> memref<10112x128xf32, #tpu.memory_space<vmem_shared>>
      tpu.enqueue_indirect_dma source(%arg5 : memref<128x128xf32, #tpu.memory_space<vmem>>) target(%dma_start3A_39 : memref<10112x128xf32, #tpu.memory_space<vmem_shared>>) offsets(%dma_start3A_36 : memref<128xi32, #tpu.memory_space<vmem>>) semaphore(%run_scoped3A_34 : memref<!tpu.dma_semaphore, #tpu.memory_space<semaphore_mem>>) {add = true}
      %dma_wait3A = arith.constant 0 : i32
      %dma_wait3A_40 = tpu.memref_slice %arg7[%run_scoped3A, %dma_wait3A] : memref<79x128xi32, #tpu.memory_space<vmem>> -> memref<1x128xi32, #tpu.memory_space<vmem>>
      %dma_wait3A_41 = tpu.memref_squeeze %dma_wait3A_40 : memref<1x128xi32, #tpu.memory_space<vmem>> -> memref<128xi32, #tpu.memory_space<vmem>>
      %dma_wait3A_42 = arith.constant 0 : i32
      %dma_wait3A_43 = arith.constant 0 : i32
      %dma_wait3A_44 = tpu.memref_slice %arg8[%dma_wait3A_42, %dma_wait3A_43] : memref<10112x128xf32, #tpu.memory_space<vmem_shared>> -> memref<10112x128xf32, #tpu.memory_space<vmem_shared>>
      tpu.wait_indirect_dma semaphore(%run_scoped3A_34 : memref<!tpu.dma_semaphore, #tpu.memory_space<semaphore_mem>>) src(%arg5 : memref<128x128xf32, #tpu.memory_space<vmem>>) dst(%dma_wait3A_44 : memref<10112x128xf32, #tpu.memory_space<vmem_shared>>)
      tpu.yield
    }) : () -> ()
    %barrier3A_29 = arith.constant 0 : index
    tpu.barrier barrier_id(%barrier3A_29)
    %mul3A_30 = arith.constant 632 : i32
    %mul3A_31 = arith.muli %arg1, %mul3A_30 : i32
    %mul3A_32 = arith.constant 632 : i32
    %mul3A_33 = arith.muli %arg1, %mul3A_32 : i32
    "tpu.region"() ({
      %run_scoped3A_34 = tpu.sem_alloc : memref<!tpu.dma_semaphore, #tpu.memory_space<semaphore_mem>>
      %dma_start3A = arith.constant 0 : i32
      %dma_start3A_35 = tpu.memref_slice %arg4[%arg0, %mul3A_33, %dma_start3A] : memref<2x10112x128xf32, #tpu.memory_space<hbm>> -> memref<1x632x128xf32, #tpu.memory_space<hbm>>
      %dma_start3A_36 = tpu.memref_squeeze %dma_start3A_35 : memref<1x632x128xf32, #tpu.memory_space<hbm>> -> memref<632x128xf32, #tpu.memory_space<hbm>>
      %dma_start3A_37 = arith.constant 0 : i32
      %dma_start3A_38 = tpu.memref_slice %arg8[%mul3A_31, %dma_start3A_37] : memref<10112x128xf32, #tpu.memory_space<vmem_shared>> -> memref<632x128xf32, #tpu.memory_space<vmem_shared>>
      tpu.enqueue_dma source(%dma_start3A_38 : memref<632x128xf32, #tpu.memory_space<vmem_shared>>) target(%dma_start3A_36 : memref<632x128xf32, #tpu.memory_space<hbm>>) target_semaphore(%run_scoped3A_34 : memref<!tpu.dma_semaphore, #tpu.memory_space<semaphore_mem>>)
      %dma_wait3A = arith.constant 0 : i32
      %dma_wait3A_39 = tpu.memref_slice %arg4[%arg0, %mul3A_33, %dma_wait3A] : memref<2x10112x128xf32, #tpu.memory_space<hbm>> -> memref<1x632x128xf32, #tpu.memory_space<hbm>>
      %dma_wait3A_40 = tpu.memref_squeeze %dma_wait3A_39 : memref<1x632x128xf32, #tpu.memory_space<hbm>> -> memref<632x128xf32, #tpu.memory_space<hbm>>
      %dma_wait3A_41 = arith.constant 0 : i32
      %dma_wait3A_42 = tpu.memref_slice %arg8[%mul3A_31, %dma_wait3A_41] : memref<10112x128xf32, #tpu.memory_space<vmem_shared>> -> memref<632x128xf32, #tpu.memory_space<vmem_shared>>
      tpu.wait_dma2 semaphore(%run_scoped3A_34 : memref<!tpu.dma_semaphore, #tpu.memory_space<semaphore_mem>>) src(%dma_wait3A_42 : memref<632x128xf32, #tpu.memory_space<vmem_shared>>) dst(%dma_wait3A_40 : memref<632x128xf32, #tpu.memory_space<hbm>>)
      tpu.yield
    }) : () -> ()
    return
  }
}

module attributes {stable_mosaic.version = 14 : i64} {
  func.func @_tc_sv_body(%arg0: i32, %arg1: memref<1000x128xf32, #tpu.memory_space<vmem>>, %arg2: memref<1000x32x128xf32, #tpu.memory_space<vmem>>, %arg3: memref<128x128xf32, #tpu.memory_space<vmem>>, %arg4: memref<1x128xf32, #tpu.memory_space<vmem>>, %arg5: memref<1x32x1xf32, #tpu.memory_space<vmem>>, %arg6: memref<128x1xf32, #tpu.memory_space<vmem>>, %arg7: memref<1x1xf32, #tpu.memory_space<vmem>>, %arg8: memref<1000x1xf32, #tpu.memory_space<vmem>>) attributes {dimension_semantics = [#tpu.dimension_semantics<arbitrary>], iteration_bounds = array<i64: 10>, scalar_prefetch = 0 : i64, scratch_operands = 0 : i64, tpu.core_type = #tpu.core_type<tc>, window_params = [{transform_indices = @transform_0, window_bounds = array<i64: 1000, 128>}, {transform_indices = @transform_1, window_bounds = array<i64: 1000, 32, 128>}, {pipeline_mode = #tpu.pipeline_mode<synchronous>, transform_indices = @transform_2, window_bounds = array<i64: 128, 128>}, {pipeline_mode = #tpu.pipeline_mode<synchronous>, transform_indices = @transform_3, window_bounds = array<i64: 1, 128>}, {pipeline_mode = #tpu.pipeline_mode<synchronous>, transform_indices = @transform_4, window_bounds = array<i64: 1, 32, 1>}, {pipeline_mode = #tpu.pipeline_mode<synchronous>, transform_indices = @transform_5, window_bounds = array<i64: 128, 1>}, {pipeline_mode = #tpu.pipeline_mode<synchronous>, transform_indices = @transform_6, window_bounds = array<i64: 1, 1>}, {transform_indices = @transform_7, window_bounds = array<i64: 1000, 1>}]} {
    %get3A = arith.constant 0 : index
    %get3A_0 = arith.constant 0 : index
    %get3A_1 = vector.load %arg1[%get3A, %get3A_0] : memref<1000x128xf32, #tpu.memory_space<vmem>>, vector<1000x128xf32>
    %get3A_2 = arith.constant 0 : index
    %get3A_3 = arith.constant 0 : index
    %get3A_4 = vector.load %arg3[%get3A_2, %get3A_3] : memref<128x128xf32, #tpu.memory_space<vmem>>, vector<128x128xf32>
    %dot_general3A = arith.constant dense<0.000000e+00> : vector<1000x128xf32>
    %dot_general3A_5 = tpu.matmul %get3A_1, %get3A_4, %dot_general3A {dimension_numbers = #tpu.dot_dimension_numbers<[1], [0], [0], [1], [0, 0, 1, 1], [], []>, transpose_lhs_hint = false} : vector<1000x128xf32>, vector<128x128xf32>, vector<1000x128xf32> -> vector<1000x128xf32>
    %get3A_6 = arith.constant 0 : index
    %get3A_7 = arith.constant 0 : index
    %get3A_8 = vector.load %arg4[%get3A_6, %get3A_7] : memref<1x128xf32, #tpu.memory_space<vmem>>, vector<1x128xf32>
    %add3A = vector.broadcast %get3A_8 : vector<1x128xf32> to vector<1000x128xf32>
    %add3A_9 = arith.addf %dot_general3A_5, %add3A : vector<1000x128xf32>
    %logistic3A = arith.negf %add3A_9 : vector<1000x128xf32>
    %logistic3A_10 = math.exp %logistic3A : vector<1000x128xf32>
    %logistic3A_11 = arith.constant 1.000000e+00 : f32
    %logistic3A_12 = vector.broadcast %logistic3A_11 : f32 to vector<1000x128xf32>
    %logistic3A_13 = arith.addf %logistic3A_12, %logistic3A_10 : vector<1000x128xf32>
    %logistic3A_14 = arith.divf %logistic3A_12, %logistic3A_13 : vector<1000x128xf32>
    %mul3A = arith.mulf %add3A_9, %logistic3A_14 : vector<1000x128xf32>
    %get3A_15 = arith.constant 0 : index
    %get3A_16 = arith.constant 0 : index
    %get3A_17 = arith.constant 0 : index
    %get3A_18 = vector.load %arg2[%get3A_15, %get3A_16, %get3A_17] : memref<1000x32x128xf32, #tpu.memory_space<vmem>>, vector<1000x32x128xf32>
    %get3A_19 = arith.constant 0 : index
    %get3A_20 = arith.constant 0 : index
    %get3A_21 = arith.constant 0 : index
    %get3A_22 = vector.load %arg5[%get3A_19, %get3A_20, %get3A_21] : memref<1x32x1xf32, #tpu.memory_space<vmem>>, vector<1x32x1xf32>
    %mul3A_23 = vector.broadcast %get3A_22 : vector<1x32x1xf32> to vector<1000x32x128xf32>
    %mul3A_24 = arith.mulf %get3A_18, %mul3A_23 : vector<1000x32x128xf32>
    %reduce_sum3A = arith.constant dense<0.000000e+00> : vector<1000x128xf32>
    %reduce_sum3A_25 = vector.multi_reduction <add>, %mul3A_24, %reduce_sum3A [1] : vector<1000x32x128xf32> to vector<1000x128xf32>
    %abs3A = math.absf %reduce_sum3A_25 : vector<1000x128xf32>
    %add3A_26 = arith.addf %mul3A, %abs3A : vector<1000x128xf32>
    %get3A_27 = arith.constant 0 : index
    %get3A_28 = arith.constant 0 : index
    %get3A_29 = vector.load %arg6[%get3A_27, %get3A_28] : memref<128x1xf32, #tpu.memory_space<vmem>>, vector<128x1xf32>
    %dot_general3A_30 = arith.constant dense<0.000000e+00> : vector<1000x1xf32>
    %dot_general3A_31 = tpu.matmul %add3A_26, %get3A_29, %dot_general3A_30 {dimension_numbers = #tpu.dot_dimension_numbers<[1], [0], [0], [1], [0, 0, 1, 1], [], []>, transpose_lhs_hint = false} : vector<1000x128xf32>, vector<128x1xf32>, vector<1000x1xf32> -> vector<1000x1xf32>
    %get3A_32 = arith.constant 0 : index
    %get3A_33 = arith.constant 0 : index
    %get3A_34 = vector.load %arg7[%get3A_32, %get3A_33] : memref<1x1xf32, #tpu.memory_space<vmem>>, vector<1x1xf32>
    %add3A_35 = vector.broadcast %get3A_34 : vector<1x1xf32> to vector<1000x1xf32>
    %add3A_36 = arith.addf %dot_general3A_31, %add3A_35 : vector<1000x1xf32>
    %swap3A = arith.constant 0 : index
    %swap3A_37 = arith.constant 0 : index
    %swap3A_38 = vector.load %arg8[%swap3A, %swap3A_37] : memref<1000x1xf32, #tpu.memory_space<vmem>>, vector<1000x1xf32>
    tpu.vector_store %arg8[%swap3A, %swap3A_37], %add3A_36 {strides = array<i32>} : memref<1000x1xf32, #tpu.memory_space<vmem>>, vector<1000x1xf32>,
    return
  }
  func.func @transform_0(%arg0: i32) -> (i32, i32) {
    %c0_i32 = arith.constant 0 : i32
    %c0_i32_0 = arith.constant 0 : i32
    return %arg0, %c0_i32 : i32, i32
  }
  func.func @transform_1(%arg0: i32) -> (i32, i32, i32) {
    %c0_i32 = arith.constant 0 : i32
    %c0_i32_0 = arith.constant 0 : i32
    %c0_i32_1 = arith.constant 0 : i32
    return %arg0, %c0_i32, %c0_i32_0 : i32, i32, i32
  }
  func.func @transform_2(%arg0: i32) -> (i32, i32) {
    %c0_i32 = arith.constant 0 : i32
    %c0_i32_0 = arith.constant 0 : i32
    %c0_i32_1 = arith.constant 0 : i32
    return %c0_i32, %c0_i32_0 : i32, i32
  }
  func.func @transform_3(%arg0: i32) -> (i32, i32) {
    %c0_i32 = arith.constant 0 : i32
    %c0_i32_0 = arith.constant 0 : i32
    %c0_i32_1 = arith.constant 0 : i32
    return %c0_i32, %c0_i32_0 : i32, i32
  }
  func.func @transform_4(%arg0: i32) -> (i32, i32, i32) {
    %c0_i32 = arith.constant 0 : i32
    %c0_i32_0 = arith.constant 0 : i32
    %c0_i32_1 = arith.constant 0 : i32
    %c0_i32_2 = arith.constant 0 : i32
    return %c0_i32, %c0_i32_0, %c0_i32_1 : i32, i32, i32
  }
  func.func @transform_5(%arg0: i32) -> (i32, i32) {
    %c0_i32 = arith.constant 0 : i32
    %c0_i32_0 = arith.constant 0 : i32
    %c0_i32_1 = arith.constant 0 : i32
    return %c0_i32, %c0_i32_0 : i32, i32
  }
  func.func @transform_6(%arg0: i32) -> (i32, i32) {
    %c0_i32 = arith.constant 0 : i32
    %c0_i32_0 = arith.constant 0 : i32
    %c0_i32_1 = arith.constant 0 : i32
    return %c0_i32, %c0_i32_0 : i32, i32
  }
  func.func @transform_7(%arg0: i32) -> (i32, i32) {
    %c0_i32 = arith.constant 0 : i32
    %c0_i32_0 = arith.constant 0 : i32
    return %arg0, %c0_i32 : i32, i32
  }
}

module attributes {stable_mosaic.version = 14 : i64} {
  func.func @_tc_e_body(%arg0: i32, %arg1: memref<2x1000x128xf32, #tpu.memory_space<vmem>>, %arg2: memref<2x1000x16xf32, #tpu.memory_space<vmem>>, %arg3: memref<1000x1xf32, #tpu.memory_space<vmem>>, %arg4: memref<128x128xf32, #tpu.memory_space<vmem>>, %arg5: memref<1x128xf32, #tpu.memory_space<vmem>>, %arg6: memref<128x1xf32, #tpu.memory_space<vmem>>, %arg7: memref<1000x1xf32, #tpu.memory_space<vmem>>) attributes {dimension_semantics = [#tpu.dimension_semantics<arbitrary>], iteration_bounds = array<i64: 10>, scalar_prefetch = 0 : i64, scratch_operands = 0 : i64, tpu.core_type = #tpu.core_type<tc>, window_params = [{transform_indices = @transform_0, window_bounds = array<i64: 2, 1000, 128>}, {transform_indices = @transform_1, window_bounds = array<i64: 2, 1000, 16>}, {transform_indices = @transform_2, window_bounds = array<i64: 1000, 1>}, {pipeline_mode = #tpu.pipeline_mode<synchronous>, transform_indices = @transform_3, window_bounds = array<i64: 128, 128>}, {pipeline_mode = #tpu.pipeline_mode<synchronous>, transform_indices = @transform_4, window_bounds = array<i64: 1, 128>}, {pipeline_mode = #tpu.pipeline_mode<synchronous>, transform_indices = @transform_5, window_bounds = array<i64: 128, 1>}, {transform_indices = @transform_6, window_bounds = array<i64: 1000, 1>}]} {
    %get3A = arith.constant 0 : index
    %get3A_0 = arith.constant 0 : index
    %get3A_1 = arith.constant 0 : index
    %get3A_2 = vector.load %arg1[%get3A, %get3A_0, %get3A_1] : memref<2x1000x128xf32, #tpu.memory_space<vmem>>, vector<1x1000x128xf32>
    %get3A_3 = vector.shape_cast %get3A_2 : vector<1x1000x128xf32> to vector<1000x128xf32>
    %get3A_4 = arith.constant 1 : index
    %get3A_5 = arith.constant 0 : index
    %get3A_6 = arith.constant 0 : index
    %get3A_7 = vector.load %arg1[%get3A_4, %get3A_5, %get3A_6] : memref<2x1000x128xf32, #tpu.memory_space<vmem>>, vector<1x1000x128xf32>
    %get3A_8 = vector.shape_cast %get3A_7 : vector<1x1000x128xf32> to vector<1000x128xf32>
    %add3A = arith.addf %get3A_3, %get3A_8 : vector<1000x128xf32>
    %get3A_9 = arith.constant 0 : index
    %get3A_10 = arith.constant 0 : index
    %get3A_11 = arith.constant 0 : index
    %get3A_12 = vector.load %arg2[%get3A_9, %get3A_10, %get3A_11] : memref<2x1000x16xf32, #tpu.memory_space<vmem>>, vector<1x1000x1xf32>
    %get3A_13 = vector.shape_cast %get3A_12 : vector<1x1000x1xf32> to vector<1000x1xf32>
    %get3A_14 = arith.constant 1 : index
    %get3A_15 = arith.constant 0 : index
    %get3A_16 = arith.constant 0 : index
    %get3A_17 = vector.load %arg2[%get3A_14, %get3A_15, %get3A_16] : memref<2x1000x16xf32, #tpu.memory_space<vmem>>, vector<1x1000x1xf32>
    %get3A_18 = vector.shape_cast %get3A_17 : vector<1x1000x1xf32> to vector<1000x1xf32>
    %add3A_19 = arith.addf %get3A_13, %get3A_18 : vector<1000x1xf32>
    %mul3A = arith.constant 5.000000e-01 : f32
    %mul3A_20 = vector.broadcast %mul3A : f32 to vector<1000x128xf32>
    %mul3A_21 = arith.mulf %mul3A_20, %add3A : vector<1000x128xf32>
    %max3A = arith.constant 1.000000e+00 : f32
    %max3A_22 = vector.broadcast %max3A : f32 to vector<1000x1xf32>
    %max3A_23 = arith.maximumf %add3A_19, %max3A_22 : vector<1000x1xf32>
    %div3A = vector.broadcast %max3A_23 : vector<1000x1xf32> to vector<1000x128xf32>
    %div3A_24 = arith.divf %mul3A_21, %div3A : vector<1000x128xf32>
    %get3A_25 = arith.constant 0 : index
    %get3A_26 = arith.constant 0 : index
    %get3A_27 = vector.load %arg4[%get3A_25, %get3A_26] : memref<128x128xf32, #tpu.memory_space<vmem>>, vector<128x128xf32>
    %dot_general3A = arith.constant dense<0.000000e+00> : vector<1000x128xf32>
    %dot_general3A_28 = tpu.matmul %div3A_24, %get3A_27, %dot_general3A {dimension_numbers = #tpu.dot_dimension_numbers<[1], [0], [0], [1], [0, 0, 1, 1], [], []>, transpose_lhs_hint = false} : vector<1000x128xf32>, vector<128x128xf32>, vector<1000x128xf32> -> vector<1000x128xf32>
    %get3A_29 = arith.constant 0 : index
    %get3A_30 = arith.constant 0 : index
    %get3A_31 = vector.load %arg5[%get3A_29, %get3A_30] : memref<1x128xf32, #tpu.memory_space<vmem>>, vector<1x128xf32>
    %add3A_32 = vector.broadcast %get3A_31 : vector<1x128xf32> to vector<1000x128xf32>
    %add3A_33 = arith.addf %dot_general3A_28, %add3A_32 : vector<1000x128xf32>
    %logistic3A = arith.negf %add3A_33 : vector<1000x128xf32>
    %logistic3A_34 = math.exp %logistic3A : vector<1000x128xf32>
    %logistic3A_35 = arith.constant 1.000000e+00 : f32
    %logistic3A_36 = vector.broadcast %logistic3A_35 : f32 to vector<1000x128xf32>
    %logistic3A_37 = arith.addf %logistic3A_36, %logistic3A_34 : vector<1000x128xf32>
    %logistic3A_38 = arith.divf %logistic3A_36, %logistic3A_37 : vector<1000x128xf32>
    %mul3A_39 = arith.mulf %add3A_33, %logistic3A_38 : vector<1000x128xf32>
    %get3A_40 = arith.constant 0 : index
    %get3A_41 = arith.constant 0 : index
    %get3A_42 = vector.load %arg3[%get3A_40, %get3A_41] : memref<1000x1xf32, #tpu.memory_space<vmem>>, vector<1000x1xf32>
    %get3A_43 = arith.constant 0 : index
    %get3A_44 = arith.constant 0 : index
    %get3A_45 = vector.load %arg6[%get3A_43, %get3A_44] : memref<128x1xf32, #tpu.memory_space<vmem>>, vector<128x1xf32>
    %dot_general3A_46 = arith.constant dense<0.000000e+00> : vector<1000x1xf32>
    %dot_general3A_47 = tpu.matmul %mul3A_39, %get3A_45, %dot_general3A_46 {dimension_numbers = #tpu.dot_dimension_numbers<[1], [0], [0], [1], [0, 0, 1, 1], [], []>, transpose_lhs_hint = false} : vector<1000x128xf32>, vector<128x1xf32>, vector<1000x1xf32> -> vector<1000x1xf32>
    %add3A_48 = arith.addf %get3A_42, %dot_general3A_47 : vector<1000x1xf32>
    %swap3A = arith.constant 0 : index
    %swap3A_49 = arith.constant 0 : index
    %swap3A_50 = vector.load %arg7[%swap3A, %swap3A_49] : memref<1000x1xf32, #tpu.memory_space<vmem>>, vector<1000x1xf32>
    tpu.vector_store %arg7[%swap3A, %swap3A_49], %add3A_48 {strides = array<i32>} : memref<1000x1xf32, #tpu.memory_space<vmem>>, vector<1000x1xf32>,
    return
  }
  func.func @transform_0(%arg0: i32) -> (i32, i32, i32) {
    %c0_i32 = arith.constant 0 : i32
    %c0_i32_0 = arith.constant 0 : i32
    %c0_i32_1 = arith.constant 0 : i32
    return %c0_i32, %arg0, %c0_i32_0 : i32, i32, i32
  }
  func.func @transform_1(%arg0: i32) -> (i32, i32, i32) {
    %c0_i32 = arith.constant 0 : i32
    %c0_i32_0 = arith.constant 0 : i32
    %c0_i32_1 = arith.constant 0 : i32
    return %c0_i32, %arg0, %c0_i32_0 : i32, i32, i32
  }
  func.func @transform_2(%arg0: i32) -> (i32, i32) {
    %c0_i32 = arith.constant 0 : i32
    %c0_i32_0 = arith.constant 0 : i32
    return %arg0, %c0_i32 : i32, i32
  }
  func.func @transform_3(%arg0: i32) -> (i32, i32) {
    %c0_i32 = arith.constant 0 : i32
    %c0_i32_0 = arith.constant 0 : i32
    %c0_i32_1 = arith.constant 0 : i32
    return %c0_i32, %c0_i32_0 : i32, i32
  }
  func.func @transform_4(%arg0: i32) -> (i32, i32) {
    %c0_i32 = arith.constant 0 : i32
    %c0_i32_0 = arith.constant 0 : i32
    %c0_i32_1 = arith.constant 0 : i32
    return %c0_i32, %c0_i32_0 : i32, i32
  }
  func.func @transform_5(%arg0: i32) -> (i32, i32) {
    %c0_i32 = arith.constant 0 : i32
    %c0_i32_0 = arith.constant 0 : i32
    %c0_i32_1 = arith.constant 0 : i32
    return %c0_i32, %c0_i32_0 : i32, i32
  }
  func.func @transform_6(%arg0: i32) -> (i32, i32) {
    %c0_i32 = arith.constant 0 : i32
    %c0_i32_0 = arith.constant 0 : i32
    return %arg0, %c0_i32 : i32, i32
  }
}

</mosaic_0001>

<sc_bundles>
// kernel: kernel.6.cloned.1.call-start
scs
__scs_entry_jumppad:
0x0: {  	(pc) =	sbr.rel $0x88, $3  }
0x1: {  	(tag) =	ssettag $0x0;
	lr =	simm.s32 $0x1  }
0x2: {  	[smem:$0x3F96] =	sst lr;
	_ =	strace $0xD0000000  }
0x3: {  	_ = 	snop  }
0x4: {  	_ = 	snop  }
0x5: {  	_ = 	snop  }
0x6: {  	_ = 	snop  }
0x7: {  	_ = 	snop  }
__scs_overlays_trampoline_lowered:
0x8: {  	[smem:$0x3FA5] =	sst s0  }
0x9: {  	[smem:$0x3FA6] =	sst s1  }
0xa: {  	[smem:$0x3FA7] =	sst s2  }
0xb: {  	[smem:$0x3FA8] =	sst s3  }
0xc: {  	[smem:$0x3FA9] =	sst s4  }
0xd: {  	[smem:$0x3FAA] =	sst s5  }
0xe: {  	[smem:$0x3FAB] =	sst s6  }
0xf: {  	[smem:$0x3FAC] =	sst s7  }
0x10: {  	[smem:$0x3FAD] =	sst s8  }
0x11: {  	[smem:$0x3FAE] =	sst s9;
	s0 =	simm.s32 @!p0 $0x0  }
0x12: {  	s1 =	sld [smem:$0x3F94];
	s0 =	simm.s32 @p0 $0x1  }
0x13: {  	[smem:$0x3FAF] =	sst s0;
	s0 =	simm.s32 @!p1 $0x0  }
0x14: {  	s2 =	sld [smem:$0x3F93];
	s0 =	simm.s32 @p1 $0x1  }
0x15: {  	[smem:$0x3FB0] =	sst s0;
	s0 =	simm.s32 @!p2 $0x0  }
0x16: {  	s3 =	sld [smem:$0x3FDB];
	s0 =	simm.s32 @p2 $0x1  }
0x17: {  	s4 =	simm.s32 $0x1BF5;
	[smem:$0x3FB2] =	sst s0  }
0x18: {  	s0 =	sld [smem:$0x3F95];
	_ =	swait.ge [sflag:s4], $0x0  }
0x19: {  	s7 =	sld [smem:$0x3F96]  }
0x1a: {  	s8 =	sadd.s32 $0xFFFFE003, lr  }
0x1b: {  	s9 =	sadd.s32 $0xFFFFFEF7, lr;
	s5 =	simm.s32 $0xFFFFFFFF;
	p2 =	slt.u32 s8, $0xFFFFF086  }
0x1c: {  	p1 =	slt.u32 s9, $0xF7A;
	s5 =	simm.s32 @!p2 $0x0  }
0x1d: {  	s5 =	simm.s32 @p1 $0x1;
	p0 =	seq.s32 s7, s2  }
0x1e: {  	s7 =	smul.u32 @!p0 $0xF7A, s2;
	p2 =	seq.s32 @!p0 s5, $0x0  }
0x1f: {  	s9 =	smul.u32 $0xF7A, s1;
	s8 =	simm.s32 @!p0 $0x1BF5;
	p2 =	por !p2, p0  }
0x20: {  	[sflag:s8] =	ssyncset.s32 @!p0 $0xFFFFF086;
	s6 =	sadd.s32 @!p0 s3, s7;
	s7 =	simm.s32 @!p0 $0x108  }
0x21: {  	s3 =	sadd.s32 s3, s9;
	s6 =	sadd.s32 @!p0 $0x88, s6;
	s7 =	simm.s32 @p2 $0x1082  }
0x22: {  	[simem:s7], [sflag:s8] =	dma.local @!p0 [hbm:s6], $0xF7A  }
0x23: {  	s9 =	sor.u32 $0xD0000000, s2;
	s6 =	simm.s32 $0x108;
	_ =	swait.ge @!p0 [sflag:s8], $0x0  }
0x24: {  	s3 =	sadd.s32 $0x88, s3;
	s6 =	simm.s32 @!p1 $0x1082;
	[sflag:s4] =	ssyncset.s32 $0xFFFFF086  }
0x25: {  	[simem:s6], [sflag:s4] =	dma.local [hbm:s3], $0xF7A  }
0x26: {  	[smem:$0x3F96] =	sst s1;
	(tag) =	ssettag s2;
	_ =	strace s9  }
0x27: {  	s1 =	sld [smem:$0x3FA6]  }
0x28: {  	s2 =	sld [smem:$0x3FA7]  }
0x29: {  	s4 =	sld [smem:$0x3FA9]  }
0x2a: {  	p0 =	seq.s32 s5, $0x0;
	s5 =	sld [smem:$0x3FAA]  }
0x2b: {  	s6 =	sld [smem:$0x3FAB]  }
0x2c: {  	s7 =	sld [smem:$0x3FAC]  }
0x2d: {  	s3 =	simm.s32 $0x108;
	s8 =	sld [smem:$0x3FAD]  }
0x2e: {  	s3 =	simm.s32 @!p0 $0x1082;
	s9 =	sld [smem:$0x3FAE]  }
0x2f: {  	lr =	sadd.s32 s0, s3;
	s0 =	sld [smem:$0x3FA5]  }
0x30: {  	s3 =	sld [smem:$0x3FA8]  }
0x31: {  	[smem:$0x3FB1] =	sst s10  }
0x32: {  	s10 =	sld [smem:$0x3FAF];
	_ =	sdelay $0x3  }
0x33: {  	p0 =	seq.s32 s10, $0x1;
	s10 =	sld [smem:$0x3FB1];
	_ =	sdelay $0x3  }
0x34: {  	[smem:$0x3FB1] =	sst s10  }
0x35: {  	s10 =	sld [smem:$0x3FB0];
	_ =	sdelay $0x3  }
0x36: {  	p1 =	seq.s32 s10, $0x1;
	s10 =	sld [smem:$0x3FB1];
	_ =	sdelay $0x3  }
0x37: {  	[smem:$0x3FB1] =	sst s10  }
0x38: {  	s10 =	sld [smem:$0x3FB2]  }
0x39: {  	_ = 	snop;
	(pc) =	sbr.ind lr, $3  }
0x3a: {  	_ = 	snop  }
0x3b: {  	_ = 	snop  }
0x3c: {  	p2 =	seq.s32 s10, $0x1;
	s10 =	sld [smem:$0x3FB1]  }
0x3d: {  	_ =	shalt  }
0x3e: {  	_ =	shalt  }
0x3f: {  	_ =	shalt  }
0x40: {  	_ =	shalt  }
0x41: {  	_ =	shalt  }
0x42: {  	_ =	shalt  }
0x43: {  	_ =	shalt  }
0x44: {  	_ =	shalt  }
0x45: {  	_ =	shalt  }
0x46: {  	_ =	shalt  }
0x47: {  	_ =	shalt  }
0x48: {  	_ =	shalt  }
0x49: {  	_ =	shalt  }
0x4a: {  	_ =	shalt  }
0x4b: {  	_ =	shalt  }
0x4c: {  	_ =	shalt  }
0x4d: {  	_ =	shalt  }
0x4e: {  	_ =	shalt  }
0x4f: {  	_ =	shalt  }
0x50: {  	_ =	shalt  }
0x51: {  	_ =	shalt  }
0x52: {  	_ =	shalt  }
0x53: {  	_ =	shalt  }
0x54: {  	_ =	shalt  }
0x55: {  	_ =	shalt  }
0x56: {  	_ =	shalt  }
0x57: {  	_ =	shalt  }
0x58: {  	_ =	shalt  }
0x59: {  	_ =	shalt  }
0x5a: {  	_ =	shalt  }
0x5b: {  	_ =	shalt  }
0x5c: {  	_ =	shalt  }
0x5d: {  	_ =	shalt  }
0x5e: {  	_ =	shalt  }
0x5f: {  	_ =	shalt  }
0x60: {  	_ =	shalt  }
0x61: {  	_ =	shalt  }
0x62: {  	_ =	shalt  }
0x63: {  	_ =	shalt  }
0x64: {  	_ =	shalt  }
0x65: {  	_ =	shalt  }
0x66: {  	_ =	shalt  }
0x67: {  	_ =	shalt  }
0x68: {  	_ =	shalt  }
0x69: {  	_ =	shalt  }
0x6a: {  	_ =	shalt  }
0x6b: {  	_ =	shalt  }
0x6c: {  	_ =	shalt  }
0x6d: {  	_ =	shalt  }
0x6e: {  	_ =	shalt  }
0x6f: {  	_ =	shalt  }
0x70: {  	_ =	shalt  }
0x71: {  	_ =	shalt  }
0x72: {  	_ =	shalt  }
0x73: {  	_ =	shalt  }
0x74: {  	_ =	shalt  }
0x75: {  	_ =	shalt  }
0x76: {  	_ =	shalt  }
0x77: {  	_ =	shalt  }
0x78: {  	_ =	shalt  }
0x79: {  	_ =	shalt  }
0x7a: {  	_ =	shalt  }
0x7b: {  	_ =	shalt  }
0x7c: {  	_ =	shalt  }
0x7d: {  	_ =	shalt  }
0x7e: {  	_ =	shalt  }
0x7f: {  	_ =	shalt  }
0x80: {  	_ =	shalt  }
0x81: {  	_ =	shalt  }
0x82: {  	_ =	shalt  }
0x83: {  	_ =	shalt  }
0x84: {  	_ =	shalt  }
0x85: {  	_ =	shalt  }
0x86: {  	_ =	shalt  }
0x87: {  	_ =	shalt  }
.Lfunc_end0:
.L_simem_size_0:
called_computation_lowered:
.L_overlay_start_0:
0x88: {  	s2 =	sld [smem:$0x3FD9]  }
0x89: {  	s3 =	sld [smem:$0x3FFE];
	_ =	sdelay $0x1  }
0x8a: {  	s1 =	srdreg.scid  }
0x8b: {  	s0 =	sand.u32 $0x1, s1  }
0x8c: {  	s17 =	sshll.u32 s0, $0xA;
	s2 =	sadd.s32 s3, s2  }
0x8d: {  	s2 =	sadd.s32 s2, s17  }
0x8e: {  	[smem:$0x3FBD] =	sst s2  }
0x8f: {  	_ = 	snop  }
0x90: {  	s18 =	sld [smem:$0x3FC7];
	(tm) =	ssettm $0x1  }
0x91: {  	s19 =	sld [smem:$0x3FFB];
	_ =	sdelay $0x3  }
0x92: {  	_ =	strace s19  }
0x93: {  	s2 =	sld [smem:$0x3FFC];
	_ =	sdelay $0x3  }
0x94: {  	_ =	strace s2  }
0x95: {  	s2 =	sld [smem:$0x3FFD];
	_ =	sdelay $0x3  }
0x96: {  	_ =	strace s2  }
0x97: {  	_ =	strace $0x8FFFFFFF  }
0x98: {  	s20 =	sld [smem:$0x3FDB];
	_ =	sdelay $0x1  }
0x99: {  	s4 =	simm.s32 $_scs_section_size  }
0x9a: {  	s5 =	simm.s32 $_size__tile_overlayer_lowered;
	s6 =	simm.s32 $_tile_overlayer_lowered  }
0x9b: {  	s7 =	simm.s32 $0x1BFF;
	s21 =	sshll.u32 s6, $0x1;
	s4 =	sadd.s32 s4, s20  }
0x9c: {  	s22 =	simm.s32 $0x0;
	s5 =	sshll.u32 s5, $0x1;
	s6 =	sadd.s32 s21, s4  }
0x9d: {  	[timem:s22], [sflag:s7] =	dma.local [hbm:s6], s5  }
0x9e: {  	_ =	swait.ge [sflag:s7], s5  }
0x9f: {  	s5 =	ssub.s32 $0x0, s5;
	[sflag:s7] =	ssyncset.done $0x0  }
0xa0: {  	[sflag:s7] =	ssyncadd.s32 s5;
	_ =	sdelay $0x1  }
0xa1: {  	s23 =	simm.s32 $0x1B8B  }
0xa2: {  	_ =	swait.ge [sflag:s23], $0x1  }
0xa3: {  	[sflag:s23] =	ssyncset.done $0x0  }
0xa4: {  	[sflag:s23] =	ssyncadd.s32 $0xFFFFFFFF  }
0xa5: {  	s5 =	sld [smem:$0x0]  }
0xa6: {  	s6 =	sand.u32 $0xFFFFFFFE, s1  }
0xa7: {  	p0 =	sne.s32 s1, s6  }
0xa8: {  	s6 =	sshll.u32 @p0 s6, $0xE  }
0xa9: {  	s6 =	sadd.s32 @p0 $0x11B8D, s6;
	s7 =	sshll.u32 @p0 s5, $0x11  }
0xaa: {  	s6 =	sor.u32 @p0 s7, s6  }
0xab: {  	[sflag:s6] =	ssyncadd.remote.s32 @p0 $0x1;
	_ =	sdelay $0x1  }
0xac: {  	s6 =	simm.s32 @p0 $0x1B8D  }
0xad: {  	_ =	swait.eq @p0 [sflag:s6], $0x1  }
0xae: {  	[sflag:s6] =	ssyncadd.s32 @p0 $0xFFFFFFFF  }
0xaf: {  	s7 =	sshll.u32 @!p0 s1, $0xE  }
0xb0: {  	s7 =	sor.u32 @!p0 $0x4000, s7;
	s6 =	simm.s32 @!p0 $0x1B8D  }
0xb1: {  	s5 =	sshll.u32 @!p0 s5, $0x11;
	s7 =	sadd.s32 @!p0 $0x11B8D, s7;
	_ =	swait.eq @!p0 [sflag:s6], $0x1  }
0xb2: {  	s5 =	sor.u32 @!p0 s5, s7;
	[sflag:s6] =	ssyncadd.s32 @!p0 $0xFFFFFFFF  }
0xb3: {  	s25 =	simm.s32 $0x1B8E;
	s24 =	sld [smem:$0x3FFE];
	[sflag:s5] =	ssyncadd.remote.s32 @!p0 $0x1  }
0xb4: {  	s26 =	simm.s32 $execute0_lowered;
	[smem:$0x3FD2] =	sst s25  }
0xb5: {  	s6 =	sshll.u32 s26, $0x1;
	_ =	strace $0x80000049;
	[dreg:$0x1] =	wrdreg $0xFFFFFFFF  }
0xb6: {  	s28 =	simm.s32 $_size_execute0_lowered;
	s4 =	sadd.s32 s4, s6;
	[dreg:$0x0] =	wrdreg $0x0  }
0xb7: {  	s6 =	sshll.u32 s28, $0x1;
	[dreg:$0x2] =	wrdreg s4  }
0xb8: {  	[dreg:$0x3] =	wrdreg s6  }
0xb9: {  	[dreg:$0x4] =	wrdreg $0xC0  }
0xba: {  	_ =	task [dreg:s22], $0x5FFFF  }
0xbb: {  	[dreg:$0x1] =	wrdreg $0xFFFFFFFF  }
0xbc: {  	[dreg:$0x0] =	wrdreg $0x60  }
0xbd: {  	[dreg:$0x2] =	wrdreg s18  }
0xbe: {  	[dreg:$0x3] =	wrdreg s24  }
0xbf: {  	[dreg:$0x4] =	wrdreg $0xA7800  }
0xc0: {  	[dreg:$0x5] =	wrdreg $0x9  }
0xc1: {  	_ =	task.clear_ibuf [dreg:s22], $0x6FFFF;
	_ =	strace $0x90000049  }
0xc2: {  	s29 =	simm.s32 $0x9;
	_ =	strace $0x8000004B  }
0xc3: {  	_ =	swait.ge [sflag:s29], $0x1  }
0xc4: {  	[sflag:s29] =	ssyncadd.s32 $0xFFFFFFFF  }
0xc5: {  	_ =	strace $0x9000004B  }
0xc6: {  	_ =	sfence  }
0xc7: {  	s30 =	sld [smem:$0x0];
	_ =	sdelay $0x2  }
0xc8: {  	s31 =	sshll.u32 s1, $0xD;
	s1 =	sshrl.u32 s1, $0x2  }
0xc9: {  	s4 =	sand.u32 $0x4000, s31;
	s1 =	sadd.s32 s1, s30  }
0xca: {  	s0 =	sor.u32 s4, s0;
	s1 =	sshll.u32 s1, $0x11  }
0xcb: {  	s0 =	sor.u32 s1, s0  }
0xcc: {  	s0 =	sadd.s32 $0x8F2B, s0  }
0xcd: {  	[sflag:s0] =	ssyncadd.remote.s32 $0x1  }
0xce: {  	_ =	sfence.sel $0xFFFF  }
0xcf: {  	[dreg:$0x0] =	wrdreg $0xFFFFFFFF;
	(pc) =	sbr.abs _section_cstart, $3  }
0xd0: {  	[dreg:$0x1] =	wrdreg $0xFFFFFFFF  }
0xd1: {  	_ =	task.clear_ibuf [dreg:s22], $0x2FFFF;
	_ =	strace $0x9FFFFFFF  }
0xd2: {  	(tm) =	ssettm $0x7FFFFFFF  }
0xd3: {  	_ =	shalt  }
tec
execute0_lowered:
.L_overlay_start_1:
0x0: {  	(tag) =	ssettag $0x1  }
0x1: {  	s0 =	srdreg.scid;
	s1 =	rddreg [dreg:$0x0]  }
0x2: {  	s18 =	stileid.u32;
	s5 =	rddreg [dreg:$0x1]  }
0x3: {  	s3 =	rddreg [dreg:$0x2];
	s4 =	simm.s32 $0x0;
	s7 =	smul.u32 $0x13C00, s18  }
0x4: {  	s19 =	simm.s32 $0x3;
	s21 =	simm.s32 $0x80;
	s9 =	smul.u32 $0x4F000, s18  }
0x5: {  	s22 =	simm.s32 $0x4000;
	s23 =	simm.s32 $0x1;
	s17 =	smul.u32 $0x2710, s18  }
0x6: {  	s28 =	simm.s32 $0xA700;
	s0 =	sand.u32 $0x1, s0;
	s31 =	smul.u32 $0x138800, s18  }
0x7: {  	s29 =	simm.s32 $0x0;
	[smem:$0x7FF] =	sst s4;
	s8 =	smul.u32 $0x13C000, s0  }
0x8: {  	s2 =	sshll.u32 s0, $0x4;
	_ =	strace $0x8000004A;
	s15 =	smul.u32 $0x27100, s0  }
0x9: {  	s25 =	ssub.s32 $0x2, s0;
	s0 =	smul.u32 $0x1388000, s0;
	s2 =	sor.u32 s18, s2  }
0xa: {  	s11 =	sshrl.u32 s25, $0x1;
	s9 =	sshrl.u32 s9, $0x2;
	s6 =	smul.u32 $0x4F0, s2  }
0xb: {  	s24 =	sadd.s32 s7, s8;
	s14 =	ssub.s32 s25, s11;
	s26 =	smul.u32 $0x138800, s2  }
0xc: {  	s9 =	sadd.s32 s9, s3;
	s2 =	smul.u32 $0x27100, s2;
	s30 =	sadd.s32 s17, s15  }
0xd: {  	s0 =	sadd.s32 s31, s0;
	s8 =	sadd.s32 $0xC000, s9;
	s14 =	smax.u32 s14, $0x1  }
0xe: {  	s18 =	sadd.s32 $0x8000, s0;
	s10 =	sadd.s32 s6, s5;
	s6 =	sshrl.u32 s24, $0x3  }
0xf: {  	s11 =	sshrl.u32 s26, $0x3;
	s24 =	simm.s32 $0x2;
	s26 =	simm.s32 $0xA680  }
0x10: {  	s13 =	sadd.s32 s6, s5;
	s5 =	sadd.s32 s7, s3;
	s6 =	sadd.s32 $0x4000, s9  }
0x11: {  	s7 =	sadd.s32 $0x8000, s9;
	s9 =	sadd.s32 $0x10000, s9;
	s10 =	sadd.s32 $0x1400, s10  }
0x12: {  	s16 =	sadd.s32 s1, s11;
	s11 =	sadd.s32 s1, s2;
	s2 =	sshll.u32 s30, $0x4  }
0x13: {  	s12 =	sadd.s32 $0x27000, s16;
	s13 =	sadd.s32 $0x15000, s13;
	s2 =	sadd.s32 s1, s2  }
0x14: {  	v0 =	vimm.f32 $0.0e+00;
	s15 =	sadd.s32 $0x26800, s11;
	s16 =	sadd.s32 $0x26800, s16;
	s17 =	sadd.s32 $0x800, s2  }
.LBB2_1:
0x15: {  	s0 =	simm.s32 $0x0;
	s2 =	simm.s32 $0x200  }
.LBB2_2:
0x16: {  	p0 =	sne.s32 s2, $0xFE00;
	[tilespmem:s0+$0x70] =	vst v0  }
0x17: {  	[tilespmem:s0+$0x0] =	vst v0  }
0x18: {  	[tilespmem:s0+$0x10] =	vst v0  }
.Ltmp0:
0x19: {  	[tilespmem:s0+$0x20] =	vst v0;
	(pc) =	sbr.rel @p0 .LBB2_2-.Ltmp0, $4  }
0x1a: {  	[tilespmem:s0+$0x30] =	vst v0  }
0x1b: {  	[tilespmem:s0+$0x40] =	vst v0  }
0x1c: {  	[tilespmem:s0+$0x50] =	vst v0  }
0x1d: {  	[tilespmem:s0+$0x60] =	vst v0;
	s0 =	sshra.s32 s2, $0x2;
	s2 =	sadd.s32 $0x200, s2  }
0x1e: {  	[tilespmem:s0+$0x70] =	vst v0  }
0x1f: {  	[tilespmem:s0+$0x0] =	vst v0  }
0x20: {  	[tilespmem:s0+$0x10] =	vst v0  }
0x21: {  	[tilespmem:s0+$0x20] =	vst v0  }
0x22: {  	[tilespmem:s0+$0x30] =	vst v0  }
0x23: {  	[tilespmem:s0+$0x40] =	vst v0  }
0x24: {  	[tilespmem:s0+$0x50] =	vst v0  }
0x25: {  	[tilespmem:s0+$0x60] =	vst v0;
	s20 =	simm.s32 $0x0  }
0x26: {  	[spmem:s5] =	stream.linear.scatter [tilespmem:s20], [sflag:$0x3], $0x4000, $0x38;
	[tilespmem:$0x1E380] =	vst v63  }
0x27: {  	_ =	swait.ge [sflag:s19], $0x4000  }
0x28: {  	[sflag:s19] =	ssyncset.done $0x0  }
0x29: {  	[sflag:s19] =	ssyncadd.s32 $0xFFFFC000  }
0x2a: {  	[spmem:s6] =	stream.linear.scatter [tilespmem:s20], [sflag:$0x3], $0x4000, $0x38;
	[tilespmem:$0x1E380] =	vst v63  }
0x2b: {  	_ =	swait.ge [sflag:s19], $0x4000  }
0x2c: {  	[sflag:s19] =	ssyncset.done $0x0  }
0x2d: {  	[sflag:s19] =	ssyncadd.s32 $0xFFFFC000  }
0x2e: {  	[spmem:s7] =	stream.linear.scatter [tilespmem:s20], [sflag:$0x3], $0x4000, $0x38;
	[tilespmem:$0x1E380] =	vst v63  }
0x2f: {  	_ =	swait.ge [sflag:s19], $0x4000  }
0x30: {  	[sflag:s19] =	ssyncset.done $0x0  }
0x31: {  	[sflag:s19] =	ssyncadd.s32 $0xFFFFC000  }
0x32: {  	[spmem:s8] =	stream.linear.scatter [tilespmem:s20], [sflag:$0x3], $0x4000, $0x38;
	[tilespmem:$0x1E380] =	vst v63  }
0x33: {  	_ =	swait.ge [sflag:s19], $0x4000  }
0x34: {  	[sflag:s19] =	ssyncset.done $0x0  }
0x35: {  	[sflag:s19] =	ssyncadd.s32 $0xFFFFC000  }
0x36: {  	[spmem:s9] =	stream.linear.scatter [tilespmem:s20], [sflag:$0x3], $0x3C00, $0x38;
	[tilespmem:$0x1E380] =	vst v63  }
0x37: {  	_ =	swait.ge [sflag:s19], $0x3C00  }
0x38: {  	[sflag:s19] =	ssyncset.done $0x0  }
0x39: {  	s2 =	simm.s32 $0x8000;
	[sflag:s19] =	ssyncadd.s32 $0xFFFFC400  }
0x3a: {  	[tilespmem:s2], [sflag:$0x3] =	stream.linear.gather [hbm4b:s10+s20], $0x2780, $0x38;
	[tilespmem:$0x1E380] =	vst v63  }
0x3b: {  	_ =	swait.ge [sflag:s19], $0x2780  }
0x3c: {  	[sflag:s19] =	ssyncset.done $0x0  }
0x3d: {  	[sflag:s19] =	ssyncadd.s32 $0xFFFFD880  }
0x3e: {  	[bflag:$0x0] =	sbarrier.arrive $0xFFFF  }
0x3f: {  	[tilespmem:s20], [sflag:$0x3] =	stream.linear.gather [hbm4b:s11+s20], $0x4000, $0x38;
	[tilespmem:$0x1E380] =	vst v63  }
0x40: {  	_ =	swait.ge [sflag:s19], $0x4000  }
0x41: {  	[sflag:s19] =	ssyncset.done $0x0  }
0x42: {  	s25 =	simm.s32 $0x8000;
	[sflag:s19] =	ssyncadd.s32 $0xFFFFC000  }
0x43: {  	[spmem:s3] =	stream.indirect.scatter.add.f32 [tilespmem:s4], [sflag:$0x1], $0x80, s25, s21, $0xb8;
	[tilespmem:$0x1E380] =	vst v63  }
0x44: {  	s2 =	sadd.s32 $0x0, s17  }
0x45: {  	[tilespmem:s22], [sflag:$0x3] =	stream.linear.gather [hbm4b:s2+s4], $0x4000, $0x38;
	[tilespmem:$0x1E380] =	vst v63  }
0x46: {  	_ =	swait.ge [sflag:s19], $0x4000  }
0x47: {  	[sflag:s19] =	ssyncset.done $0x0  }
0x48: {  	s20 =	simm.s32 $0x8080;
	[sflag:s19] =	ssyncadd.s32 $0xFFFFC000  }
0x49: {  	[spmem:s3] =	stream.indirect.scatter.add.f32 [tilespmem:s22], [sflag:$0x2], $0x80, s20, s21, $0xb8;
	[tilespmem:$0x1E380] =	vst v63  }
0x4a: {  	_ =	swait.ge [sflag:s23], $0x4000  }
0x4b: {  	s25 =	sshrl.u32 s18, $0x3;
	[sflag:s23] =	ssyncset.done $0x0  }
0x4c: {  	s0 =	sadd.s32 s1, s25;
	[sflag:s23] =	ssyncadd.s32 $0xFFFFC000  }
0x4d: {  	[tilespmem:s4], [sflag:$0x3] =	stream.linear.gather [hbm4b:s0+s4], $0x4000, $0x38;
	[tilespmem:$0x1E380] =	vst v63  }
0x4e: {  	_ =	swait.ge [sflag:s19], $0x4000  }
0x4f: {  	[sflag:s19] =	ssyncset.done $0x0  }
0x50: {  	[sflag:s19] =	ssyncadd.s32 $0xFFFFC000  }
0x51: {  	s30 =	simm.s32 $0x8180;
	s31 =	smov.u32 s18;
	_ =	swait.ge [sflag:s24], $0x4000  }
0x52: {  	s2 =	simm.s32 $0x1000;
	s0 =	simm.s32 $0x2000;
	[sflag:s24] =	ssyncset.done $0x0  }
.LBB2_4:
0x53: {  	s20 =	sadd.s32 $0xFFFFFF80, s30  }
0x54: {  	[sflag:s24] =	ssyncadd.s32 $0xFFFFC000;
	s31 =	sadd.s32 $0x8000, s31;
	s25 =	smov.u32 s0  }
0x55: {  	[spmem:s3] =	stream.indirect.scatter.add.f32 [tilespmem:s4], [sflag:$0x1], $0x80, s20, s21, $0xb8;
	[tilespmem:$0x1E380] =	vst v63  }
0x56: {  	p0 =	sne.s32 s0, $0x25000;
	s0 =	sadd.s32 $0x1000, s0;
	s2 =	sadd.s32 s2, s17  }
0x57: {  	[tilespmem:s22], [sflag:$0x3] =	stream.linear.gather [hbm4b:s2+s4], $0x4000, $0x38;
	[tilespmem:$0x1E380] =	vst v63  }
0x58: {  	s2 =	smov.u32 s25;
	_ =	swait.ge [sflag:s19], $0x4000  }
0x59: {  	[sflag:s19] =	ssyncset.done $0x0  }
0x5a: {  	[sflag:s19] =	ssyncadd.s32 $0xFFFFC000  }
0x5b: {  	[spmem:s3] =	stream.indirect.scatter.add.f32 [tilespmem:s22], [sflag:$0x2], $0x80, s30, s21, $0xb8;
	[tilespmem:$0x1E380] =	vst v63  }
0x5c: {  	_ =	swait.ge [sflag:s23], $0x4000  }
0x5d: {  	s20 =	sshrl.u32 s31, $0x3;
	[sflag:s23] =	ssyncset.done $0x0  }
0x5e: {  	s20 =	sadd.s32 s1, s20;
	[sflag:s23] =	ssyncadd.s32 $0xFFFFC000  }
0x5f: {  	[tilespmem:s4], [sflag:$0x3] =	stream.linear.gather [hbm4b:s20+s4], $0x4000, $0x38;
	[tilespmem:$0x1E380] =	vst v63  }
.Ltmp1:
0x60: {  	_ =	swait.ge [sflag:s19], $0x4000;
	(pc) =	sbr.rel @p0 .LBB2_4-.Ltmp1, $4  }
0x61: {  	[sflag:s19] =	ssyncset.done $0x0  }
0x62: {  	[sflag:s19] =	ssyncadd.s32 $0xFFFFC000  }
0x63: {  	_ =	swait.ge [sflag:s24], $0x4000  }
0x64: {  	s30 =	sadd.s32 $0x100, s30;
	[sflag:s24] =	ssyncset.done $0x0  }
0x65: {  	s0 =	sadd.s32 $0xFFFFFF80, s30;
	[sflag:s24] =	ssyncadd.s32 $0xFFFFC000  }
0x66: {  	[spmem:s3] =	stream.indirect.scatter.add.f32 [tilespmem:s4], [sflag:$0x1], $0x80, s0, s21, $0xb8;
	[tilespmem:$0x1E380] =	vst v63  }
0x67: {  	s2 =	sadd.s32 s2, s17  }
0x68: {  	[tilespmem:s22], [sflag:$0x3] =	stream.linear.gather [hbm4b:s2+s4], $0x4000, $0x38;
	[tilespmem:$0x1E380] =	vst v63  }
0x69: {  	_ =	swait.ge [sflag:s19], $0x4000  }
0x6a: {  	[sflag:s19] =	ssyncset.done $0x0  }
0x6b: {  	[sflag:s19] =	ssyncadd.s32 $0xFFFFC000  }
0x6c: {  	[spmem:s3] =	stream.indirect.scatter.add.f32 [tilespmem:s22], [sflag:$0x2], $0x80, s30, s21, $0xb8;
	[tilespmem:$0x1E380] =	vst v63  }
0x6d: {  	s20 =	sadd.s32 $0x8000, s31;
	_ =	swait.ge [sflag:s23], $0x4000  }
0x6e: {  	s0 =	sshrl.u32 s20, $0x3;
	[sflag:s23] =	ssyncset.done $0x0  }
0x6f: {  	s0 =	sadd.s32 s1, s0;
	[sflag:s23] =	ssyncadd.s32 $0xFFFFC000  }
0x70: {  	[tilespmem:s4], [sflag:$0x3] =	stream.linear.gather [hbm4b:s0+s4], $0x4000, $0x38;
	[tilespmem:$0x1E380] =	vst v63  }
0x71: {  	_ =	swait.ge [sflag:s19], $0x4000  }
0x72: {  	[sflag:s19] =	ssyncset.done $0x0  }
0x73: {  	[sflag:s19] =	ssyncadd.s32 $0xFFFFC000  }
0x74: {  	_ =	swait.ge [sflag:s24], $0x4000  }
0x75: {  	[sflag:s24] =	ssyncset.done $0x0  }
0x76: {  	s25 =	simm.s32 $0xA600;
	[sflag:s24] =	ssyncadd.s32 $0xFFFFC000  }
0x77: {  	[spmem:s3] =	stream.indirect.scatter.add.f32 [tilespmem:s4], [sflag:$0x1], $0x80, s25, s21, $0xb8;
	[tilespmem:$0x1E380] =	vst v63  }
0x78: {  	_ = 	snop  }
0x79: {  	[tilespmem:s22], [sflag:$0x3] =	stream.linear.gather [hbm4b:s15+s4], $0x4000, $0x38;
	[tilespmem:$0x1E380] =	vst v63  }
0x7a: {  	_ =	swait.ge [sflag:s19], $0x4000  }
0x7b: {  	[sflag:s19] =	ssyncset.done $0x0  }
0x7c: {  	[sflag:s19] =	ssyncadd.s32 $0xFFFFC000  }
0x7d: {  	[spmem:s3] =	stream.indirect.scatter.add.f32 [tilespmem:s22], [sflag:$0x2], $0x80, s26, s21, $0xb8;
	[tilespmem:$0x1E380] =	vst v63  }
0x7e: {  	_ =	swait.ge [sflag:s23], $0x4000  }
0x7f: {  	[sflag:s23] =	ssyncset.done $0x0  }
0x80: {  	[sflag:s23] =	ssyncadd.s32 $0xFFFFC000  }
0x81: {  	[tilespmem:s4], [sflag:$0x3] =	stream.linear.gather [hbm4b:s16+s4], $0x4000, $0x38;
	[tilespmem:$0x1E380] =	vst v63  }
0x82: {  	_ =	swait.ge [sflag:s19], $0x4000  }
0x83: {  	[sflag:s19] =	ssyncset.done $0x0  }
0x84: {  	[sflag:s19] =	ssyncadd.s32 $0xFFFFC000  }
0x85: {  	_ =	swait.ge [sflag:s24], $0x4000  }
0x86: {  	[sflag:s24] =	ssyncset.done $0x0  }
0x87: {  	[sflag:s24] =	ssyncadd.s32 $0xFFFFC000  }
0x88: {  	[tilespmem:s4], [sflag:$0x3] =	stream.linear.gather [hbm4b:s12+s4], $0x800, $0x38;
	[tilespmem:$0x1E380] =	vst v63  }
0x89: {  	_ =	swait.ge [sflag:s19], $0x800  }
0x8a: {  	[sflag:s19] =	ssyncset.done $0x0  }
0x8b: {  	[sflag:s19] =	ssyncadd.s32 $0xFFFFF800  }
0x8c: {  	[spmem:s3] =	stream.indirect.scatter.add.f32 [tilespmem:s4], [sflag:$0x3], $0x80, s28, s21, $0xb8;
	[tilespmem:$0x1E380] =	vst v63  }
0x8d: {  	s31 =	sshrl.u32 s5, $0x3;
	_ =	swait.ge [sflag:s19], $0x4000  }
0x8e: {  	s29 =	sadd.s32 $0x1, s29;
	s30 =	stileid.u32;
	[sflag:s19] =	ssyncset.done $0x0  }
0x8f: {  	p0 =	sne.s32 s29, s14;
	s0 =	sshll.u32 s30, $0x6;
	[sflag:s19] =	ssyncadd.s32 $0xFFFFC000  }
.Ltmp2:
0x90: {  	s0 =	sor.u32 $0x1C03, s0;
	[bflag:$0x0] =	sbarrier.arrive $0xFFFF;
	(pc) =	sbr.rel @p0 .LBB2_1-.Ltmp2, $4  }
0x91: {  	[hbm:s13], [sflag:s0] =	dma.local [spmem:s31], $0x2780  }
0x92: {  	_ =	swait.ge [sflag:s19], $0x2780  }
0x93: {  	[sflag:s19] =	ssyncset.done $0x0  }
0x94: {  	[sflag:s19] =	ssyncadd.s32 $0xFFFFD880  }
0x95: {  	_ =	sfence.sel $0x180000  }
0x96: {  	[bflag:$0x0] =	sbarrier.arrive $0xFFFF  }
0x97: {  	_ =	strace $0x9000004A  }
0x98: {  	s0 =	stileid.u32;
	[bflag:$0x2] =	sbarrier.arrive $0xFFFF  }
0x99: {  	p0 =	sne.s32 s0, $0x0;
	s0 =	rddreg [dreg:$0x3]  }
0x9a: {  	s0 =	sadd.s32 @!p0 $0x100000, s0  }
0x9b: {  	[sflag:s0] =	ssyncadd.tile.s32 @!p0 $0x1;
	_ =	shalt  }
.Lfunc_end2:
_tile_overlayer_lowered:
.L_overlay_start_2:
0x9c: {  	(tag) =	ssettag $0x2  }
0x9d: {  	s0 =	rddreg [dreg:$0x0];
	s2 =	stileid.u32  }
0x9e: {  	s1 =	rddreg [dreg:$0x1];
	p0 =	sne.s32 s2, $0x0  }
0x9f: {  	s3 =	rddreg [dreg:$0x2];
	[bflag:$0x3] =	sbarrier.arrive $0xFFFF;
	s2 =	simm.s32 @!p0 $0x1C03  }
0xa0: {  	[timem:s3], [sflag:s2] =	dma.local @!p0 [hbm:s0], s1  }
0xa1: {  	s0 =	simm.s32 @!p0 $0x3  }
0xa2: {  	_ =	swait.ge @!p0 [sflag:s0], s1  }
0xa3: {  	s1 =	ssub.s32 @!p0 $0x0, s1;
	[sflag:s0] =	ssyncset.done @!p0 $0x0  }
0xa4: {  	[sflag:s0] =	ssyncadd.s32 @!p0 s1  }
0xa5: {  	[bflag:$0x3] =	sbarrier.arrive $0xFFFF  }
0xa6: {  	_ =	shalt  }

// kernel: kernel.9.cloned.1.call-start
scs
__scs_entry_jumppad:
0x0: {  	(pc) =	sbr.rel $0x88, $3  }
0x1: {  	(tag) =	ssettag $0x0;
	lr =	simm.s32 $0x1  }
0x2: {  	[smem:$0x3F96] =	sst lr;
	_ =	strace $0xD0000000  }
0x3: {  	_ = 	snop  }
0x4: {  	_ = 	snop  }
0x5: {  	_ = 	snop  }
0x6: {  	_ = 	snop  }
0x7: {  	_ = 	snop  }
__scs_overlays_trampoline_lowered:
0x8: {  	[smem:$0x3FA5] =	sst s0  }
0x9: {  	[smem:$0x3FA6] =	sst s1  }
0xa: {  	[smem:$0x3FA7] =	sst s2  }
0xb: {  	[smem:$0x3FA8] =	sst s3  }
0xc: {  	[smem:$0x3FA9] =	sst s4  }
0xd: {  	[smem:$0x3FAA] =	sst s5  }
0xe: {  	[smem:$0x3FAB] =	sst s6  }
0xf: {  	[smem:$0x3FAC] =	sst s7  }
0x10: {  	[smem:$0x3FAD] =	sst s8  }
0x11: {  	[smem:$0x3FAE] =	sst s9;
	s0 =	simm.s32 @!p0 $0x0  }
0x12: {  	s1 =	sld [smem:$0x3F94];
	s0 =	simm.s32 @p0 $0x1  }
0x13: {  	[smem:$0x3FAF] =	sst s0;
	s0 =	simm.s32 @!p1 $0x0  }
0x14: {  	s2 =	sld [smem:$0x3F93];
	s0 =	simm.s32 @p1 $0x1  }
0x15: {  	[smem:$0x3FB0] =	sst s0;
	s0 =	simm.s32 @!p2 $0x0  }
0x16: {  	s3 =	sld [smem:$0x3FDB];
	s0 =	simm.s32 @p2 $0x1  }
0x17: {  	s4 =	simm.s32 $0x1BF5;
	[smem:$0x3FB2] =	sst s0  }
0x18: {  	s0 =	sld [smem:$0x3F95];
	_ =	swait.ge [sflag:s4], $0x0  }
0x19: {  	s7 =	sld [smem:$0x3F96]  }
0x1a: {  	s8 =	sadd.s32 $0xFFFFE003, lr  }
0x1b: {  	s9 =	sadd.s32 $0xFFFFFEF7, lr;
	s5 =	simm.s32 $0xFFFFFFFF;
	p2 =	slt.u32 s8, $0xFFFFF086  }
0x1c: {  	p1 =	slt.u32 s9, $0xF7A;
	s5 =	simm.s32 @!p2 $0x0  }
0x1d: {  	s5 =	simm.s32 @p1 $0x1;
	p0 =	seq.s32 s7, s2  }
0x1e: {  	s7 =	smul.u32 @!p0 $0xF7A, s2;
	p2 =	seq.s32 @!p0 s5, $0x0  }
0x1f: {  	s9 =	smul.u32 $0xF7A, s1;
	s8 =	simm.s32 @!p0 $0x1BF5;
	p2 =	por !p2, p0  }
0x20: {  	[sflag:s8] =	ssyncset.s32 @!p0 $0xFFFFF086;
	s6 =	sadd.s32 @!p0 s3, s7;
	s7 =	simm.s32 @!p0 $0x108  }
0x21: {  	s3 =	sadd.s32 s3, s9;
	s6 =	sadd.s32 @!p0 $0x88, s6;
	s7 =	simm.s32 @p2 $0x1082  }
0x22: {  	[simem:s7], [sflag:s8] =	dma.local @!p0 [hbm:s6], $0xF7A  }
0x23: {  	s9 =	sor.u32 $0xD0000000, s2;
	s6 =	simm.s32 $0x108;
	_ =	swait.ge @!p0 [sflag:s8], $0x0  }
0x24: {  	s3 =	sadd.s32 $0x88, s3;
	s6 =	simm.s32 @!p1 $0x1082;
	[sflag:s4] =	ssyncset.s32 $0xFFFFF086  }
0x25: {  	[simem:s6], [sflag:s4] =	dma.local [hbm:s3], $0xF7A  }
0x26: {  	[smem:$0x3F96] =	sst s1;
	(tag) =	ssettag s2;
	_ =	strace s9  }
0x27: {  	s1 =	sld [smem:$0x3FA6]  }
0x28: {  	s2 =	sld [smem:$0x3FA7]  }
0x29: {  	s4 =	sld [smem:$0x3FA9]  }
0x2a: {  	p0 =	seq.s32 s5, $0x0;
	s5 =	sld [smem:$0x3FAA]  }
0x2b: {  	s6 =	sld [smem:$0x3FAB]  }
0x2c: {  	s7 =	sld [smem:$0x3FAC]  }
0x2d: {  	s3 =	simm.s32 $0x108;
	s8 =	sld [smem:$0x3FAD]  }
0x2e: {  	s3 =	simm.s32 @!p0 $0x1082;
	s9 =	sld [smem:$0x3FAE]  }
0x2f: {  	lr =	sadd.s32 s0, s3;
	s0 =	sld [smem:$0x3FA5]  }
0x30: {  	s3 =	sld [smem:$0x3FA8]  }
0x31: {  	[smem:$0x3FB1] =	sst s10  }
0x32: {  	s10 =	sld [smem:$0x3FAF];
	_ =	sdelay $0x3  }
0x33: {  	p0 =	seq.s32 s10, $0x1;
	s10 =	sld [smem:$0x3FB1];
	_ =	sdelay $0x3  }
0x34: {  	[smem:$0x3FB1] =	sst s10  }
0x35: {  	s10 =	sld [smem:$0x3FB0];
	_ =	sdelay $0x3  }
0x36: {  	p1 =	seq.s32 s10, $0x1;
	s10 =	sld [smem:$0x3FB1];
	_ =	sdelay $0x3  }
0x37: {  	[smem:$0x3FB1] =	sst s10  }
0x38: {  	s10 =	sld [smem:$0x3FB2]  }
0x39: {  	_ = 	snop;
	(pc) =	sbr.ind lr, $3  }
0x3a: {  	_ = 	snop  }
0x3b: {  	_ = 	snop  }
0x3c: {  	p2 =	seq.s32 s10, $0x1;
	s10 =	sld [smem:$0x3FB1]  }
0x3d: {  	_ =	shalt  }
0x3e: {  	_ =	shalt  }
0x3f: {  	_ =	shalt  }
0x40: {  	_ =	shalt  }
0x41: {  	_ =	shalt  }
0x42: {  	_ =	shalt  }
0x43: {  	_ =	shalt  }
0x44: {  	_ =	shalt  }
0x45: {  	_ =	shalt  }
0x46: {  	_ =	shalt  }
0x47: {  	_ =	shalt  }
0x48: {  	_ =	shalt  }
0x49: {  	_ =	shalt  }
0x4a: {  	_ =	shalt  }
0x4b: {  	_ =	shalt  }
0x4c: {  	_ =	shalt  }
0x4d: {  	_ =	shalt  }
0x4e: {  	_ =	shalt  }
0x4f: {  	_ =	shalt  }
0x50: {  	_ =	shalt  }
0x51: {  	_ =	shalt  }
0x52: {  	_ =	shalt  }
0x53: {  	_ =	shalt  }
0x54: {  	_ =	shalt  }
0x55: {  	_ =	shalt  }
0x56: {  	_ =	shalt  }
0x57: {  	_ =	shalt  }
0x58: {  	_ =	shalt  }
0x59: {  	_ =	shalt  }
0x5a: {  	_ =	shalt  }
0x5b: {  	_ =	shalt  }
0x5c: {  	_ =	shalt  }
0x5d: {  	_ =	shalt  }
0x5e: {  	_ =	shalt  }
0x5f: {  	_ =	shalt  }
0x60: {  	_ =	shalt  }
0x61: {  	_ =	shalt  }
0x62: {  	_ =	shalt  }
0x63: {  	_ =	shalt  }
0x64: {  	_ =	shalt  }
0x65: {  	_ =	shalt  }
0x66: {  	_ =	shalt  }
0x67: {  	_ =	shalt  }
0x68: {  	_ =	shalt  }
0x69: {  	_ =	shalt  }
0x6a: {  	_ =	shalt  }
0x6b: {  	_ =	shalt  }
0x6c: {  	_ =	shalt  }
0x6d: {  	_ =	shalt  }
0x6e: {  	_ =	shalt  }
0x6f: {  	_ =	shalt  }
0x70: {  	_ =	shalt  }
0x71: {  	_ =	shalt  }
0x72: {  	_ =	shalt  }
0x73: {  	_ =	shalt  }
0x74: {  	_ =	shalt  }
0x75: {  	_ =	shalt  }
0x76: {  	_ =	shalt  }
0x77: {  	_ =	shalt  }
0x78: {  	_ =	shalt  }
0x79: {  	_ =	shalt  }
0x7a: {  	_ =	shalt  }
0x7b: {  	_ =	shalt  }
0x7c: {  	_ =	shalt  }
0x7d: {  	_ =	shalt  }
0x7e: {  	_ =	shalt  }
0x7f: {  	_ =	shalt  }
0x80: {  	_ =	shalt  }
0x81: {  	_ =	shalt  }
0x82: {  	_ =	shalt  }
0x83: {  	_ =	shalt  }
0x84: {  	_ =	shalt  }
0x85: {  	_ =	shalt  }
0x86: {  	_ =	shalt  }
0x87: {  	_ =	shalt  }
.Lfunc_end0:
.L_simem_size_0:
called_computation.1_lowered:
.L_overlay_start_0:
0x88: {  	s2 =	sld [smem:$0x3FD9]  }
0x89: {  	s3 =	sld [smem:$0x3FFE];
	_ =	sdelay $0x1  }
0x8a: {  	s1 =	srdreg.scid  }
0x8b: {  	s0 =	sand.u32 $0x1, s1  }
0x8c: {  	s16 =	sshll.u32 s0, $0xA;
	s2 =	sadd.s32 s3, s2  }
0x8d: {  	s2 =	sadd.s32 s2, s16  }
0x8e: {  	[smem:$0x3FBD] =	sst s2  }
0x8f: {  	_ = 	snop  }
0x90: {  	(tm) =	ssettm $0x1  }
0x91: {  	s17 =	sld [smem:$0x3FFB];
	_ =	sdelay $0x3  }
0x92: {  	_ =	strace s17  }
0x93: {  	s2 =	sld [smem:$0x3FFC];
	_ =	sdelay $0x3  }
0x94: {  	_ =	strace s2  }
0x95: {  	s2 =	sld [smem:$0x3FFD];
	_ =	sdelay $0x3  }
0x96: {  	_ =	strace s2  }
0x97: {  	_ =	strace $0x8FFFFFFF  }
0x98: {  	s18 =	sld [smem:$0x3FDB];
	_ =	sdelay $0x1  }
0x99: {  	s19 =	simm.s32 $_scs_section_size  }
0x9a: {  	s4 =	simm.s32 $_size__tile_overlayer_lowered;
	s5 =	simm.s32 $_tile_overlayer_lowered  }
0x9b: {  	s22 =	simm.s32 $0x1BFF;
	s21 =	sshll.u32 s5, $0x1;
	s2 =	sadd.s32 s19, s18  }
0x9c: {  	s6 =	simm.s32 $0x0;
	s20 =	sshll.u32 s4, $0x1;
	s4 =	sadd.s32 s21, s2  }
0x9d: {  	[timem:s6], [sflag:s22] =	dma.local [hbm:s4], s20  }
0x9e: {  	_ =	swait.ge [sflag:s22], s20  }
0x9f: {  	s3 =	ssub.s32 $0x0, s20;
	[sflag:s22] =	ssyncset.done $0x0  }
0xa0: {  	[sflag:s22] =	ssyncadd.s32 s3;
	_ =	sdelay $0x1  }
0xa1: {  	s23 =	simm.s32 $0x1B8B  }
0xa2: {  	_ =	swait.ge [sflag:s23], $0x1  }
0xa3: {  	[sflag:s23] =	ssyncset.done $0x0  }
0xa4: {  	s25 =	simm.s32 $0x1B8E;
	s24 =	sld [smem:$0x3FFE];
	[sflag:s23] =	ssyncadd.s32 $0xFFFFFFFF  }
0xa5: {  	s26 =	simm.s32 $execute0_lowered;
	[smem:$0x3FD2] =	sst s25  }
0xa6: {  	s4 =	sshll.u32 s26, $0x1;
	_ =	strace $0x80000046;
	[dreg:$0x1] =	wrdreg $0xFFFFFFFF  }
0xa7: {  	s28 =	simm.s32 $_size_execute0_lowered;
	s2 =	sadd.s32 s2, s4;
	[dreg:$0x0] =	wrdreg $0x0  }
0xa8: {  	s4 =	sshll.u32 s28, $0x1;
	[dreg:$0x2] =	wrdreg s2  }
0xa9: {  	[dreg:$0x3] =	wrdreg s4  }
0xaa: {  	[dreg:$0x4] =	wrdreg $0xC0  }
0xab: {  	_ =	task [dreg:s6], $0x5FFFF  }
0xac: {  	[dreg:$0x1] =	wrdreg $0xFFFFFFFF  }
0xad: {  	[dreg:$0x0] =	wrdreg $0x60  }
0xae: {  	[dreg:$0x2] =	wrdreg s24  }
0xaf: {  	[dreg:$0x3] =	wrdreg $0x2F800  }
0xb0: {  	[dreg:$0x4] =	wrdreg $0xA  }
0xb1: {  	_ =	task.clear_ibuf [dreg:s6], $0x5FFFF;
	_ =	strace $0x90000046  }
0xb2: {  	s29 =	simm.s32 $0xA;
	_ =	strace $0x80000048  }
0xb3: {  	_ =	swait.ge [sflag:s29], $0x1  }
0xb4: {  	[sflag:s29] =	ssyncadd.s32 $0xFFFFFFFF  }
0xb5: {  	_ =	strace $0x90000048  }
0xb6: {  	_ =	sfence  }
0xb7: {  	s30 =	sld [smem:$0x0];
	_ =	sdelay $0x2  }
0xb8: {  	s31 =	sshll.u32 s1, $0xD;
	s1 =	sshrl.u32 s1, $0x2  }
0xb9: {  	s3 =	sand.u32 $0x4000, s31;
	s1 =	sadd.s32 s1, s30  }
0xba: {  	s0 =	sor.u32 s3, s0;
	s1 =	sshll.u32 s1, $0x11  }
0xbb: {  	s0 =	sor.u32 s1, s0  }
0xbc: {  	s0 =	sadd.s32 $0x8F2B, s0  }
0xbd: {  	[sflag:s0] =	ssyncadd.remote.s32 $0x1  }
0xbe: {  	_ =	sfence.sel $0xFFFF  }
0xbf: {  	[dreg:$0x0] =	wrdreg $0xFFFFFFFF;
	(pc) =	sbr.abs _section_cstart, $3  }
0xc0: {  	[dreg:$0x1] =	wrdreg $0xFFFFFFFF  }
0xc1: {  	_ =	task.clear_ibuf [dreg:s6], $0x2FFFF;
	_ =	strace $0x9FFFFFFF  }
0xc2: {  	(tm) =	ssettm $0x7FFFFFFF  }
0xc3: {  	_ =	shalt  }
tec
execute0_lowered:
.L_overlay_start_1:
0x0: {  	(tag) =	ssettag $0x1  }
0x1: {  	s5 =	rddreg [dreg:$0x0]  }
0x2: {  	s0 =	srdreg.scid;
	s2 =	rddreg [dreg:$0x1]  }
0x3: {  	s3 =	simm.s32 $0x0;
	s4 =	sand.u32 $0x1, s0;
	s0 =	stileid.u32  }
0x4: {  	s13 =	simm.s32 $0x800;
	s14 =	simm.s32 $0x80;
	s7 =	smul.u32 $0x2780, s0  }
0x5: {  	s17 =	simm.s32 $0x0;
	[smem:$0x7FF] =	sst s3;
	s8 =	smul.u32 $0x27800, s4  }
0x6: {  	s1 =	sshll.u32 s4, $0x4;
	s9 =	smul.u32 $0x9E00, s0;
	s4 =	ssub.s32 $0x2, s4  }
0x7: {  	s15 =	sshll.u32 s0, $0x6;
	s1 =	sor.u32 s0, s1;
	s30 =	sshrl.u32 s4, $0x1  }
0x8: {  	s15 =	sor.u32 $0x1C01, s15;
	s6 =	smul.u32 $0x4F0, s1;
	s1 =	rddreg [dreg:$0x2]  }
0x9: {  	_ =	strace $0x80000047;
	s29 =	sadd.s32 s7, s8;
	s9 =	sshrl.u32 s9, $0x2  }
0xa: {  	s12 =	ssub.s32 s4, s30;
	s4 =	sadd.s32 s7, s2;
	s31 =	sadd.s32 s9, s2  }
0xb: {  	s16 =	sshrl.u32 s4, $0x3;
	s10 =	sadd.s32 s6, s5;
	s6 =	sshrl.u32 s29, $0x3  }
0xc: {  	s7 =	sadd.s32 $0x1800, s31;
	s8 =	sadd.s32 $0x2000, s31;
	s11 =	sadd.s32 s6, s5  }
0xd: {  	s5 =	sadd.s32 $0x800, s31;
	s6 =	sadd.s32 $0x1000, s31;
	s9 =	sadd.s32 $0x1400, s10  }
0xe: {  	v0 =	vimm.f32 $0.0e+00;
	v1 =	vimm.f32 $1.000000000e+00;
	s10 =	sadd.s32 $0xB200, s11;
	s11 =	smax.u32 s12, $0x1;
	s12 =	simm.s32 $0x1  }
.LBB2_1:
0xf: {  	s18 =	simm.s32 $0x40;
	s19 =	simm.s32 $0x0  }
.LBB2_2:
0x10: {  	p0 =	sne.s32 s18, $0x1FC0;
	[tilespmem:s19+$0x0] =	vst v0;
	s19 =	smov.u32 s18;
	s18 =	sadd.s32 $0x40, s18  }
.Ltmp0:
0x11: {  	(pc) =	sbr.rel @p0 .LBB2_2-.Ltmp0, $2  }
0x12: {  	_ =	sdelay $0x2  }
0x13: {  	s19 =	sshra.s32 s19, $0x2  }
0x14: {  	[tilespmem:s19+$0x0] =	vst v0;
	s18 =	simm.s32 $0x0  }
0x15: {  	[spmem:s4] =	stream.linear.scatter [tilespmem:s18], [sflag:$0x1], $0x800, $0x38;
	[tilespmem:$0x5700] =	vst v63  }
0x16: {  	_ =	swait.ge [sflag:s12], $0x800  }
0x17: {  	[sflag:s12] =	ssyncset.done $0x0  }
0x18: {  	[sflag:s12] =	ssyncadd.s32 $0xFFFFF800  }
0x19: {  	[spmem:s5] =	stream.linear.scatter [tilespmem:s18], [sflag:$0x1], $0x800, $0x38;
	[tilespmem:$0x5700] =	vst v63  }
0x1a: {  	_ =	swait.ge [sflag:s12], $0x800  }
0x1b: {  	[sflag:s12] =	ssyncset.done $0x0  }
0x1c: {  	[sflag:s12] =	ssyncadd.s32 $0xFFFFF800  }
0x1d: {  	[spmem:s6] =	stream.linear.scatter [tilespmem:s18], [sflag:$0x1], $0x800, $0x38;
	[tilespmem:$0x5700] =	vst v63  }
0x1e: {  	_ =	swait.ge [sflag:s12], $0x800  }
0x1f: {  	[sflag:s12] =	ssyncset.done $0x0  }
0x20: {  	[sflag:s12] =	ssyncadd.s32 $0xFFFFF800  }
0x21: {  	[spmem:s7] =	stream.linear.scatter [tilespmem:s18], [sflag:$0x1], $0x800, $0x38;
	[tilespmem:$0x5700] =	vst v63  }
0x22: {  	_ =	swait.ge [sflag:s12], $0x800  }
0x23: {  	[sflag:s12] =	ssyncset.done $0x0  }
0x24: {  	[sflag:s12] =	ssyncadd.s32 $0xFFFFF800  }
0x25: {  	[spmem:s8] =	stream.linear.scatter [tilespmem:s18], [sflag:$0x1], $0x780, $0x38;
	[tilespmem:$0x5700] =	vst v63  }
0x26: {  	_ =	swait.ge [sflag:s12], $0x780  }
0x27: {  	[sflag:s12] =	ssyncset.done $0x0  }
0x28: {  	[sflag:s12] =	ssyncadd.s32 $0xFFFFF880  }
0x29: {  	[tilespmem:s13], [sflag:$0x1] =	stream.linear.gather [hbm4b:s9+s18], $0x2780, $0x38;
	[tilespmem:$0x5700] =	vst v63  }
0x2a: {  	_ =	swait.ge [sflag:s12], $0x2780  }
0x2b: {  	[sflag:s12] =	ssyncset.done $0x0  }
0x2c: {  	s19 =	simm.s32 $0x0;
	s18 =	simm.s32 $0x40;
	[sflag:s12] =	ssyncadd.s32 $0xFFFFD880  }
.LBB2_4:
0x2d: {  	p0 =	sne.s32 s18, $0x1FC0;
	[tilespmem:s19+$0x0] =	vst v1;
	s19 =	smov.u32 s18;
	s18 =	sadd.s32 $0x40, s18  }
.Ltmp1:
0x2e: {  	(pc) =	sbr.rel @p0 .LBB2_4-.Ltmp1, $2  }
0x2f: {  	_ =	sdelay $0x2  }
0x30: {  	s19 =	sshra.s32 s19, $0x2  }
0x31: {  	[tilespmem:s19+$0x0] =	vst v1  }
0x32: {  	s18 =	simm.s32 $0x800;
	[bflag:$0x0] =	sbarrier.arrive $0xFFFF  }
0x33: {  	[spmem:s2] =	stream.indirect.scatter.add.f32 [tilespmem:s3], [sflag:$0x1], $0x10, s18, s14, $0xb8;
	[tilespmem:$0x5700] =	vst v63  }
0x34: {  	s18 =	simm.s32 $0x200;
	_ =	swait.ge [sflag:s12], $0x800  }
.LBB2_6:
0x35: {  	s19 =	sshra.s32 s18, $0x2;
	[sflag:s12] =	ssyncset.done $0x0;
	p0 =	sne.s32 s18, $0x9C00  }
.Ltmp2:
0x36: {  	s19 =	sadd.s32 $0x800, s19;
	[sflag:s12] =	ssyncadd.s32 $0xFFFFF800;
	(pc) =	sbr.rel @p0 .LBB2_6-.Ltmp2, $3  }
0x37: {  	[spmem:s2] =	stream.indirect.scatter.add.f32 [tilespmem:s3], [sflag:$0x1], $0x10, s19, s14, $0xb8;
	[tilespmem:$0x5700] =	vst v63  }
0x38: {  	s18 =	sadd.s32 $0x200, s18;
	_ =	sdelay $0x1  }
0x39: {  	_ =	swait.ge [sflag:s12], $0x800  }
0x3a: {  	[sflag:s12] =	ssyncset.done $0x0;
	s17 =	sadd.s32 $0x1, s17  }
0x3b: {  	[sflag:s12] =	ssyncadd.s32 $0xFFFFF800;
	p0 =	sne.s32 s17, s11  }
.Ltmp3:
0x3c: {  	[bflag:$0x0] =	sbarrier.arrive $0xFFFF;
	(pc) =	sbr.rel @p0 .LBB2_1-.Ltmp3, $4  }
0x3d: {  	[hbm:s10], [sflag:s15] =	dma.local [spmem:s16], $0x4F0  }
0x3e: {  	_ =	swait.ge [sflag:s12], $0x4F0  }
0x3f: {  	[sflag:s12] =	ssyncset.done $0x0  }
0x40: {  	[sflag:s12] =	ssyncadd.s32 $0xFFFFFB10  }
0x41: {  	_ =	sfence.sel $0x180000  }
0x42: {  	[bflag:$0x0] =	sbarrier.arrive $0xFFFF  }
0x43: {  	p0 =	sne.s32 s0, $0x0;
	_ =	strace $0x90000047  }
0x44: {  	s0 =	sadd.s32 @!p0 $0x100000, s1;
	[bflag:$0x2] =	sbarrier.arrive $0xFFFF  }
0x45: {  	[sflag:s0] =	ssyncadd.tile.s32 @!p0 $0x1;
	_ =	shalt  }
.Lfunc_end2:
_tile_overlayer_lowered:
.L_overlay_start_2:
0x46: {  	(tag) =	ssettag $0x2  }
0x47: {  	s0 =	rddreg [dreg:$0x0];
	s2 =	stileid.u32  }
0x48: {  	s1 =	rddreg [dreg:$0x1];
	p0 =	sne.s32 s2, $0x0  }
0x49: {  	s3 =	rddreg [dreg:$0x2];
	[bflag:$0x3] =	sbarrier.arrive $0xFFFF;
	s2 =	simm.s32 @!p0 $0x1C01  }
0x4a: {  	[timem:s3], [sflag:s2] =	dma.local @!p0 [hbm:s0], s1  }
0x4b: {  	s0 =	simm.s32 @!p0 $0x1  }
0x4c: {  	_ =	swait.ge @!p0 [sflag:s0], s1  }
0x4d: {  	s1 =	ssub.s32 @!p0 $0x0, s1;
	[sflag:s0] =	ssyncset.done @!p0 $0x0  }
0x4e: {  	[sflag:s0] =	ssyncadd.s32 @!p0 s1  }
0x4f: {  	[bflag:$0x3] =	sbarrier.arrive $0xFFFF  }
0x50: {  	_ =	shalt  }

</sc_bundles>
